<compile_context>
chip_gen: v7x
topology: tpu7x:2x2x1
jax: 0.10.2.dev20260603
libtpu: 0.0.44.dev20260713+nightly
codegen_flags: <defaults>
</compile_context>

<pallas_src>
import math

import jax
import jax.numpy as jnp
from jax import lax
from jax.experimental import pallas as pl
from jax.experimental.pallas import tpu as pltpu
from jax.experimental.pallas import tpu_sc as plsc

_B = 16
_N = 32768
_THRESH_RAD = math.radians(1.0)
_THRESH_S2 = (2.0 * math.sin(_THRESH_RAD / 2.0)) ** 2
_V = 2.0 * math.pi * (1.0 - math.cos(_THRESH_RAD))
_LN2 = 0.6931471805599453

_NC = 2
_NS = 16
_NW = _NC * _NS
_CHUNK = _N // _NW
_LANES = 16
_STEPS = _CHUNK // _LANES
_BLOCKS_PER_W = _CHUNK // 128


def _sc_body(upf_hbm, uof_hbm, h_hbm, r_hbm, seg_hbm, out_hbm,
             pred_v, obs_v, seg_v, h_v, r_v, ta_v, tc1_v, tc0_v,
             acc_v, acc2_v, res_v):
    cid = lax.axis_index("c")
    sid = lax.axis_index("s")
    wid = cid * _NS + sid
    base = wid * _CHUNK

    pltpu.sync_copy(upf_hbm.at[pl.ds(wid * _BLOCKS_PER_W, _BLOCKS_PER_W)],
                    pred_v)
    pltpu.sync_copy(uof_hbm.at[pl.ds(wid * _BLOCKS_PER_W, _BLOCKS_PER_W)],
                    obs_v)
    pltpu.sync_copy(seg_hbm.at[pl.ds(base, _CHUNK)], seg_v)
    pltpu.sync_copy(h_hbm, h_v)
    pltpu.sync_copy(r_hbm, r_v)

    hv = jnp.clip(h_v[...], 0.01, 0.99)
    rv = _THRESH_RAD * (0.1 + 0.9 * jnp.clip(r_v[...], 0.0, 1.0))
    a = 0.5 / (rv * rv)
    norm_c = math.pi * (1.0 - jnp.exp(-a * _THRESH_S2)) / a
    ta_v[...] = 2.0 * a
    tc1_v[...] = hv / norm_c
    tc0_v[...] = (1.0 - hv) / _V

    zeros = jnp.zeros((_LANES,), jnp.float32)
    for r in range(_LANES):
        acc_v[r, :] = zeros
        acc2_v[r, :] = zeros

    lane = lax.iota(jnp.int32, _LANES)
    zero16 = jnp.zeros((_LANES,), jnp.int32)
    one16 = zero16 + 1
    two16 = zero16 + 2

    def emit(j, acc_ref):
        bvec = zero16 + lax.div(j, 8)
        lvec = lane + lax.rem(j, 8) * _LANES
        xp = plsc.load_gather(pred_v, [bvec, zero16, lvec])
        yp = plsc.load_gather(pred_v, [bvec, one16, lvec])
        zp = plsc.load_gather(pred_v, [bvec, two16, lvec])
        xo = plsc.load_gather(obs_v, [bvec, zero16, lvec])
        yo = plsc.load_gather(obs_v, [bvec, one16, lvec])
        zo = plsc.load_gather(obs_v, [bvec, two16, lvec])
        seg = plsc.load_gather(seg_v, [lane + j * _LANES])

        dot = xp * xo + yp * yo + zp * zo
        t = (xp * xp + yp * yp + zp * zp) * (xo * xo + yo * yo + zo * zo)
        ib = lax.bitcast_convert_type(t, jnp.int32)
        ib = 0x5F3759DF - (ib >> 1)
        y = lax.bitcast_convert_type(ib, jnp.float32)
        hx = 0.5 * t
        y = y * (1.5 - hx * y * y)
        y = y * (1.5 - hx * y * y)
        z = dot * y

        twoa = plsc.load_gather(ta_v, [seg])
        c1 = plsc.load_gather(tc1_v, [seg])
        c0 = plsc.load_gather(tc0_v, [seg])
        arg = jnp.maximum(twoa * (z - 1.0), -88.0)
        p = c1 * jnp.exp(arg) + c0
        pb = lax.bitcast_convert_type(p, jnp.int32)
        e = (pb >> 23) - 127
        m = lax.bitcast_convert_type((pb & 0x007FFFFF) | 0x3F800000,
                                     jnp.float32)
        s = (m - 1.0) / (m + 1.0)
        s2 = s * s
        poly = s * (2.0 + s2 * (2.0 / 3.0 + s2 * (2.0 / 5.0
                    + s2 * (2.0 / 7.0 + s2 * (2.0 / 9.0)))))
        logp = e.astype(jnp.float32) * _LN2 + poly

        plsc.addupdate_scatter(acc_ref, [lane, seg], logp)

    @plsc.parallel_loop(0, _STEPS, step=2, unroll=4)
    def _loop(j):
        emit(j, acc_v)
        emit(j + 1, acc2_v)

    part = acc_v[0, :] + acc2_v[0, :]
    for r in range(1, _LANES):
        part = part + acc_v[r, :]
        part = part + acc2_v[r, :]
    res_v[...] = part
    pltpu.sync_copy(res_v, out_hbm.at[wid])


def kernel(u_pred, u_obs, h, R, segment_ids):
    seg = segment_ids.astype(jnp.int32)
    vpred = jnp.pad(u_pred, ((0, 0), (0, 1))).reshape(
        _N // 128, 128, 4).transpose(0, 2, 1)
    vobs = jnp.pad(u_obs, ((0, 0), (0, 1))).reshape(
        _N // 128, 128, 4).transpose(0, 2, 1)
    sc = pl.kernel(
        _sc_body,
        out_type=jax.ShapeDtypeStruct((_NW, _B), jnp.float32),
        mesh=plsc.VectorSubcoreMesh(core_axis_name="c", subcore_axis_name="s",
                                    num_cores=_NC, num_subcores=_NS),
        compiler_params=pltpu.CompilerParams(needs_layout_passes=False,
                                             use_tc_tiling_on_sc=False),
        scratch_types=[
            pltpu.VMEM((_BLOCKS_PER_W, 4, 128), jnp.float32),
            pltpu.VMEM((_BLOCKS_PER_W, 4, 128), jnp.float32),
            pltpu.VMEM((_CHUNK,), jnp.int32),
            pltpu.VMEM((_B,), jnp.float32),
            pltpu.VMEM((_B,), jnp.float32),
            pltpu.VMEM((_B,), jnp.float32),
            pltpu.VMEM((_B,), jnp.float32),
            pltpu.VMEM((_B,), jnp.float32),
            pltpu.VMEM((_LANES, _B), jnp.float32),
            pltpu.VMEM((_LANES, _B), jnp.float32),
            pltpu.VMEM((_B,), jnp.float32),
        ],
    )
    out2 = sc(vpred, vobs, h, R, seg)
    return out2.sum(axis=0)

# --- scband reference (transcript-rebuilt; emitter-appended) ---
"""Pipeline reference for scband-asteroid-search-model-51943334478357 (READ-ONLY COPY).

The authoritative reference and input builder live on the scoring server;
editing this copy changes nothing except your own understanding.
"""

import jax, jax.numpy as jnp
import numpy as np

B = 16
N = 32768
THRESH_DEG = 1.0


def setup_inputs(seed: int = 0) -> dict:
    key = jax.random.key(seed)
    k1, k2, k3, k4, k5 = jax.random.split(key, 5)
    u_pred = jax.random.normal(k1, (N, 3), dtype=jnp.float32)
    u_obs = jax.random.normal(k2, (N, 3), dtype=jnp.float32)
    h = jax.random.uniform(k3, (B,), dtype=jnp.float32)
    R = jax.random.uniform(k4, (B,), dtype=jnp.float32)
    segment_ids = jnp.sort(jax.random.randint(k5, (N,), 0, B))
    return {"u_pred": u_pred, "u_obs": u_obs, "h": h, "R": R, "segment_ids": segment_ids}


def reference(u_pred, u_obs, h, R, segment_ids):
    # Ragged trajectory score: batch of B candidate orbital elements, each with a
    # variable-length block of ZTF observations (flat layout + segment_ids, the
    # ragged-tensor equivalent of row_lengths in the original keras model).
    thresh_rad = jnp.deg2rad(jnp.float32(THRESH_DEG))
    # cartesian distance threshold between unit direction vectors
    thresh_s2 = (2.0 * jnp.sin(thresh_rad / 2.0)) ** 2
    # normalize predicted and observed directions to unit vectors
    u_pred_n = u_pred / jnp.linalg.norm(u_pred, axis=-1, keepdims=True)
    u_obs_n = u_obs / jnp.linalg.norm(u_obs, axis=-1, keepdims=True)
    # squared cartesian distance s^2 = 2 (1 - cos z)
    z = jnp.sum(u_pred_n * u_obs_n, axis=-1)
    s2 = 2.0 * (1.0 - z)
    # mixture parameters per candidate element: hit fraction h and resolution R
    h_elt = jnp.clip(h, 0.01, 0.99)
    R_elt = thresh_rad * (0.1 + 0.9 * jnp.clip(R, 0.0, 1.0))
    A = 0.5 / (R_elt ** 2)
    # gather per-element params to flat observation layout (ragged broadcast)
    A_flat = A[segment_ids]
    h_flat = h_elt[segment_ids]
    # conditional (hit) density: truncated gaussian on the spherical cap
    norm_c = (jnp.pi / A_flat) * (1.0 - jnp.exp(-A_flat * thresh_s2))
    p_cond = jnp.exp(-A_flat * s2) / norm_c
    # background (miss) density: uniform on the cap of solid angle V
    V = 2.0 * jnp.pi * (1.0 - jnp.cos(thresh_rad))
    p_mix = h_flat * p_cond + (1.0 - h_flat) / V
    log_p = jnp.log(p_mix)
    # ragged segment reduction: per-element log likelihood
    log_like = jax.ops.segment_sum(log_p, segment_ids, num_segments=B)
    return log_like

if __name__ == "__main__":
    import jax
    _d = setup_inputs()
    print(jax.jit(kernel)(*tuple(_d.values())))

</pallas_src>

<mosaic_0001>
#map = affine_map<(d0, d1) -> (0, 0, 0)>
#map1 = affine_map<(d0, d1) -> (0)>
#map2 = affine_map<(d0, d1) -> (0, 0)>
module attributes {stable_mosaic.version = 14 : i64} {
  func.func @_sc_body(%arg0: i32, %arg1: i32, %arg2: memref<256x4x128xf32, #tpu.memory_space<hbm>>, %arg3: memref<256x4x128xf32, #tpu.memory_space<hbm>>, %arg4: memref<16xf32, #tpu.memory_space<hbm>>, %arg5: memref<16xf32, #tpu.memory_space<hbm>>, %arg6: memref<32768xi32, #tpu.memory_space<hbm>>, %arg7: memref<32x16xf32, #tpu.memory_space<hbm>>, %arg8: memref<8x4x128xf32, #tpu.memory_space<vmem>>, %arg9: memref<8x4x128xf32, #tpu.memory_space<vmem>>, %arg10: memref<1024xi32, #tpu.memory_space<vmem>>, %arg11: memref<16xf32, #tpu.memory_space<vmem>>, %arg12: memref<16xf32, #tpu.memory_space<vmem>>, %arg13: memref<16xf32, #tpu.memory_space<vmem>>, %arg14: memref<16xf32, #tpu.memory_space<vmem>>, %arg15: memref<16xf32, #tpu.memory_space<vmem>>, %arg16: memref<16x16xf32, #tpu.memory_space<vmem>>, %arg17: memref<16x16xf32, #tpu.memory_space<vmem>>, %arg18: memref<16xf32, #tpu.memory_space<vmem>>) attributes {dimension_semantics = [#tpu.dimension_semantics<core_parallel>, #tpu.dimension_semantics<subcore_parallel>], iteration_bounds = array<i64: 2, 16>, scalar_prefetch = 0 : i64, scratch_operands = 11 : i64, tpu.core_type = #tpu.core_type<sc_vector_subcore>, window_params = [{transform_indices = #map}, {transform_indices = #map}, {transform_indices = #map1}, {transform_indices = #map1}, {transform_indices = #map1}, {transform_indices = #map2}]} {
    %mul3A = arith.constant 16 : i32
    %mul3A_0 = arith.muli %arg0, %mul3A : i32
    %add3A = arith.addi %mul3A_0, %arg1 : i32
    %mul3A_1 = arith.constant 1024 : i32
    %mul3A_2 = arith.muli %add3A, %mul3A_1 : i32
    %mul3A_3 = arith.constant 8 : i32
    %mul3A_4 = arith.muli %add3A, %mul3A_3 : i32
    "tpu.region"() ({
      %run_scoped3A = tpu.sem_alloc : memref<!tpu.dma_semaphore, #tpu.memory_space<semaphore_mem>>
      %dma_start3A = arith.constant 0 : i32
      %dma_start3A_357 = arith.constant 0 : i32
      %dma_start3A_358 = tpu.memref_slice %arg2[%mul3A_4, %dma_start3A, %dma_start3A_357] : memref<256x4x128xf32, #tpu.memory_space<hbm>> -> memref<8x4x128xf32, #tpu.memory_space<hbm>>
      %dma_start3A_359 = arith.constant 0 : i32
      %dma_start3A_360 = arith.constant 0 : i32
      %dma_start3A_361 = tpu.memref_slice %arg2[%mul3A_4, %dma_start3A_359, %dma_start3A_360] : memref<256x4x128xf32, #tpu.memory_space<hbm>> -> memref<8x4x128xf32, #tpu.memory_space<hbm>>
      tpu.enqueue_dma source(%dma_start3A_361 : memref<8x4x128xf32, #tpu.memory_space<hbm>>) target(%arg8 : memref<8x4x128xf32, #tpu.memory_space<vmem>>) target_semaphore(%run_scoped3A : memref<!tpu.dma_semaphore, #tpu.memory_space<semaphore_mem>>)
      %dma_wait3A = arith.constant 0 : i32
      %dma_wait3A_362 = arith.constant 0 : i32
      %dma_wait3A_363 = tpu.memref_slice %arg2[%mul3A_4, %dma_wait3A, %dma_wait3A_362] : memref<256x4x128xf32, #tpu.memory_space<hbm>> -> memref<8x4x128xf32, #tpu.memory_space<hbm>>
      %dma_wait3A_364 = arith.constant 0 : i32
      %dma_wait3A_365 = arith.constant 0 : i32
      %dma_wait3A_366 = tpu.memref_slice %arg2[%mul3A_4, %dma_wait3A_364, %dma_wait3A_365] : memref<256x4x128xf32, #tpu.memory_space<hbm>> -> memref<8x4x128xf32, #tpu.memory_space<hbm>>
      tpu.wait_dma2 semaphore(%run_scoped3A : memref<!tpu.dma_semaphore, #tpu.memory_space<semaphore_mem>>) src(%dma_wait3A_366 : memref<8x4x128xf32, #tpu.memory_space<hbm>>) dst(%arg8 : memref<8x4x128xf32, #tpu.memory_space<vmem>>)
      tpu.yield
    }) : () -> ()
    %mul3A_5 = arith.constant 8 : i32
    %mul3A_6 = arith.muli %add3A, %mul3A_5 : i32
    "tpu.region"() ({
      %run_scoped3A = tpu.sem_alloc : memref<!tpu.dma_semaphore, #tpu.memory_space<semaphore_mem>>
      %dma_start3A = arith.constant 0 : i32
      %dma_start3A_357 = arith.constant 0 : i32
      %dma_start3A_358 = tpu.memref_slice %arg3[%mul3A_6, %dma_start3A, %dma_start3A_357] : memref<256x4x128xf32, #tpu.memory_space<hbm>> -> memref<8x4x128xf32, #tpu.memory_space<hbm>>
      %dma_start3A_359 = arith.constant 0 : i32
      %dma_start3A_360 = arith.constant 0 : i32
      %dma_start3A_361 = tpu.memref_slice %arg3[%mul3A_6, %dma_start3A_359, %dma_start3A_360] : memref<256x4x128xf32, #tpu.memory_space<hbm>> -> memref<8x4x128xf32, #tpu.memory_space<hbm>>
      tpu.enqueue_dma source(%dma_start3A_361 : memref<8x4x128xf32, #tpu.memory_space<hbm>>) target(%arg9 : memref<8x4x128xf32, #tpu.memory_space<vmem>>) target_semaphore(%run_scoped3A : memref<!tpu.dma_semaphore, #tpu.memory_space<semaphore_mem>>)
      %dma_wait3A = arith.constant 0 : i32
      %dma_wait3A_362 = arith.constant 0 : i32
      %dma_wait3A_363 = tpu.memref_slice %arg3[%mul3A_6, %dma_wait3A, %dma_wait3A_362] : memref<256x4x128xf32, #tpu.memory_space<hbm>> -> memref<8x4x128xf32, #tpu.memory_space<hbm>>
      %dma_wait3A_364 = arith.constant 0 : i32
      %dma_wait3A_365 = arith.constant 0 : i32
      %dma_wait3A_366 = tpu.memref_slice %arg3[%mul3A_6, %dma_wait3A_364, %dma_wait3A_365] : memref<256x4x128xf32, #tpu.memory_space<hbm>> -> memref<8x4x128xf32, #tpu.memory_space<hbm>>
      tpu.wait_dma2 semaphore(%run_scoped3A : memref<!tpu.dma_semaphore, #tpu.memory_space<semaphore_mem>>) src(%dma_wait3A_366 : memref<8x4x128xf32, #tpu.memory_space<hbm>>) dst(%arg9 : memref<8x4x128xf32, #tpu.memory_space<vmem>>)
      tpu.yield
    }) : () -> ()
    "tpu.region"() ({
      %run_scoped3A = tpu.sem_alloc : memref<!tpu.dma_semaphore, #tpu.memory_space<semaphore_mem>>
      %dma_start3A = tpu.memref_slice %arg6[%mul3A_2] : memref<32768xi32, #tpu.memory_space<hbm>> -> memref<1024xi32, #tpu.memory_space<hbm>>
      %dma_start3A_357 = tpu.memref_slice %arg6[%mul3A_2] : memref<32768xi32, #tpu.memory_space<hbm>> -> memref<1024xi32, #tpu.memory_space<hbm>>
      tpu.enqueue_dma source(%dma_start3A_357 : memref<1024xi32, #tpu.memory_space<hbm>>) target(%arg10 : memref<1024xi32, #tpu.memory_space<vmem>>) target_semaphore(%run_scoped3A : memref<!tpu.dma_semaphore, #tpu.memory_space<semaphore_mem>>)
      %dma_wait3A = tpu.memref_slice %arg6[%mul3A_2] : memref<32768xi32, #tpu.memory_space<hbm>> -> memref<1024xi32, #tpu.memory_space<hbm>>
      %dma_wait3A_358 = tpu.memref_slice %arg6[%mul3A_2] : memref<32768xi32, #tpu.memory_space<hbm>> -> memref<1024xi32, #tpu.memory_space<hbm>>
      tpu.wait_dma2 semaphore(%run_scoped3A : memref<!tpu.dma_semaphore, #tpu.memory_space<semaphore_mem>>) src(%dma_wait3A_358 : memref<1024xi32, #tpu.memory_space<hbm>>) dst(%arg10 : memref<1024xi32, #tpu.memory_space<vmem>>)
      tpu.yield
    }) : () -> ()
    "tpu.region"() ({
      %run_scoped3A = tpu.sem_alloc : memref<!tpu.dma_semaphore, #tpu.memory_space<semaphore_mem>>
      tpu.enqueue_dma source(%arg4 : memref<16xf32, #tpu.memory_space<hbm>>) target(%arg11 : memref<16xf32, #tpu.memory_space<vmem>>) target_semaphore(%run_scoped3A : memref<!tpu.dma_semaphore, #tpu.memory_space<semaphore_mem>>)
      tpu.wait_dma2 semaphore(%run_scoped3A : memref<!tpu.dma_semaphore, #tpu.memory_space<semaphore_mem>>) src(%arg4 : memref<16xf32, #tpu.memory_space<hbm>>) dst(%arg11 : memref<16xf32, #tpu.memory_space<vmem>>)
      tpu.yield
    }) : () -> ()
    "tpu.region"() ({
      %run_scoped3A = tpu.sem_alloc : memref<!tpu.dma_semaphore, #tpu.memory_space<semaphore_mem>>
      tpu.enqueue_dma source(%arg5 : memref<16xf32, #tpu.memory_space<hbm>>) target(%arg12 : memref<16xf32, #tpu.memory_space<vmem>>) target_semaphore(%run_scoped3A : memref<!tpu.dma_semaphore, #tpu.memory_space<semaphore_mem>>)
      tpu.wait_dma2 semaphore(%run_scoped3A : memref<!tpu.dma_semaphore, #tpu.memory_space<semaphore_mem>>) src(%arg5 : memref<16xf32, #tpu.memory_space<hbm>>) dst(%arg12 : memref<16xf32, #tpu.memory_space<vmem>>)
      tpu.yield
    }) : () -> ()
    %get3A = arith.constant 0 : index
    %get3A_7 = tpu.vector_load %arg11[%get3A] {strides = array<i32>} : memref<16xf32, #tpu.memory_space<vmem>>, vector<16xf32>,
    %jit3A = arith.constant 0.00999999977 : f32
    %jit3A_8 = arith.constant 9.900000e-01 : f32
    %max3A = vector.broadcast %jit3A : f32 to vector<16xf32>
    %max3A_9 = arith.maximumf %max3A, %get3A_7 : vector<16xf32>
    %min3A = vector.broadcast %jit3A_8 : f32 to vector<16xf32>
    %min3A_10 = arith.minimumf %min3A, %max3A_9 : vector<16xf32>
    %get3A_11 = arith.constant 0 : index
    %get3A_12 = tpu.vector_load %arg12[%get3A_11] {strides = array<i32>} : memref<16xf32, #tpu.memory_space<vmem>>, vector<16xf32>,
    %jit3A_13 = arith.constant 0.000000e+00 : f32
    %jit3A_14 = arith.constant 1.000000e+00 : f32
    %max3A_15 = vector.broadcast %jit3A_13 : f32 to vector<16xf32>
    %max3A_16 = arith.maximumf %max3A_15, %get3A_12 : vector<16xf32>
    %min3A_17 = vector.broadcast %jit3A_14 : f32 to vector<16xf32>
    %min3A_18 = arith.minimumf %min3A_17, %max3A_16 : vector<16xf32>
    %mul3A_19 = arith.constant 0.899999976 : f32
    %mul3A_20 = vector.broadcast %mul3A_19 : f32 to vector<16xf32>
    %mul3A_21 = arith.mulf %mul3A_20, %min3A_18 : vector<16xf32>
    %add3A_22 = arith.constant 1.000000e-01 : f32
    %add3A_23 = vector.broadcast %add3A_22 : f32 to vector<16xf32>
    %add3A_24 = arith.addf %add3A_23, %mul3A_21 : vector<16xf32>
    %mul3A_25 = arith.constant 0.0174532924 : f32
    %mul3A_26 = vector.broadcast %mul3A_25 : f32 to vector<16xf32>
    %mul3A_27 = arith.mulf %mul3A_26, %add3A_24 : vector<16xf32>
    %mul3A_28 = arith.mulf %mul3A_27, %mul3A_27 : vector<16xf32>
    %div3A = arith.constant 5.000000e-01 : f32
    %div3A_29 = vector.broadcast %div3A : f32 to vector<16xf32>
    %div3A_30 = arith.divf %div3A_29, %mul3A_28 : vector<16xf32>
    %neg3A = arith.constant 0.000000e+00 : f32
    %neg3A_31 = vector.broadcast %neg3A : f32 to vector<16xf32>
    %neg3A_32 = arith.subf %neg3A_31, %div3A_30 : vector<16xf32>
    %mul3A_33 = arith.constant 3.04609683E-4 : f32
    %mul3A_34 = vector.broadcast %mul3A_33 : f32 to vector<16xf32>
    %mul3A_35 = arith.mulf %neg3A_32, %mul3A_34 : vector<16xf32>
    %exp3A = math.exp %mul3A_35 : vector<16xf32>
    %sub3A = arith.constant 1.000000e+00 : f32
    %sub3A_36 = vector.broadcast %sub3A : f32 to vector<16xf32>
    %sub3A_37 = arith.subf %sub3A_36, %exp3A : vector<16xf32>
    %mul3A_38 = arith.constant 3.14159274 : f32
    %mul3A_39 = vector.broadcast %mul3A_38 : f32 to vector<16xf32>
    %mul3A_40 = arith.mulf %mul3A_39, %sub3A_37 : vector<16xf32>
    %div3A_41 = arith.divf %mul3A_40, %div3A_30 : vector<16xf32>
    %mul3A_42 = arith.constant 2.000000e+00 : f32
    %mul3A_43 = vector.broadcast %mul3A_42 : f32 to vector<16xf32>
    %mul3A_44 = arith.mulf %mul3A_43, %div3A_30 : vector<16xf32>
    %swap3A = arith.constant 0 : index
    %swap3A_45 = tpu.vector_load %arg13[%swap3A] {strides = array<i32>} : memref<16xf32, #tpu.memory_space<vmem>>, vector<16xf32>,
    tpu.vector_store %arg13[%swap3A], %mul3A_44 {strides = array<i32>} : memref<16xf32, #tpu.memory_space<vmem>>, vector<16xf32>,
    %div3A_46 = arith.divf %min3A_10, %div3A_41 : vector<16xf32>
    %swap3A_47 = arith.constant 0 : index
    %swap3A_48 = tpu.vector_load %arg14[%swap3A_47] {strides = array<i32>} : memref<16xf32, #tpu.memory_space<vmem>>, vector<16xf32>,
    tpu.vector_store %arg14[%swap3A_47], %div3A_46 {strides = array<i32>} : memref<16xf32, #tpu.memory_space<vmem>>, vector<16xf32>,
    %sub3A_49 = arith.constant 1.000000e+00 : f32
    %sub3A_50 = vector.broadcast %sub3A_49 : f32 to vector<16xf32>
    %sub3A_51 = arith.subf %sub3A_50, %min3A_10 : vector<16xf32>
    %div3A_52 = arith.constant 9.56959557E-4 : f32
    %div3A_53 = vector.broadcast %div3A_52 : f32 to vector<16xf32>
    %div3A_54 = arith.divf %sub3A_51, %div3A_53 : vector<16xf32>
    %swap3A_55 = arith.constant 0 : index
    %swap3A_56 = tpu.vector_load %arg15[%swap3A_55] {strides = array<i32>} : memref<16xf32, #tpu.memory_space<vmem>>, vector<16xf32>,
    tpu.vector_store %arg15[%swap3A_55], %div3A_54 {strides = array<i32>} : memref<16xf32, #tpu.memory_space<vmem>>, vector<16xf32>,
    %broadcast_in_dim3A = arith.constant 0.000000e+00 : f32
    %broadcast_in_dim3A_57 = vector.broadcast %broadcast_in_dim3A : f32 to vector<16xf32>
    %swap3A_58 = arith.constant 0 : i32
    %swap3A_59 = arith.index_cast %swap3A_58 : i32 to index
    %swap3A_60 = arith.constant 0 : index
    %swap3A_61 = tpu.vector_load %arg16[%swap3A_59, %swap3A_60] {strides = array<i32>} : memref<16x16xf32, #tpu.memory_space<vmem>>, vector<16xf32>,
    tpu.vector_store %arg16[%swap3A_59, %swap3A_60], %broadcast_in_dim3A_57 {strides = array<i32>} : memref<16x16xf32, #tpu.memory_space<vmem>>, vector<16xf32>,
    %swap3A_62 = arith.constant 0 : i32
    %swap3A_63 = arith.index_cast %swap3A_62 : i32 to index
    %swap3A_64 = arith.constant 0 : index
    %swap3A_65 = tpu.vector_load %arg17[%swap3A_63, %swap3A_64] {strides = array<i32>} : memref<16x16xf32, #tpu.memory_space<vmem>>, vector<16xf32>,
    tpu.vector_store %arg17[%swap3A_63, %swap3A_64], %broadcast_in_dim3A_57 {strides = array<i32>} : memref<16x16xf32, #tpu.memory_space<vmem>>, vector<16xf32>,
    %swap3A_66 = arith.constant 1 : i32
    %swap3A_67 = arith.index_cast %swap3A_66 : i32 to index
    %swap3A_68 = arith.constant 0 : index
    %swap3A_69 = tpu.vector_load %arg16[%swap3A_67, %swap3A_68] {strides = array<i32>} : memref<16x16xf32, #tpu.memory_space<vmem>>, vector<16xf32>,
    tpu.vector_store %arg16[%swap3A_67, %swap3A_68], %broadcast_in_dim3A_57 {strides = array<i32>} : memref<16x16xf32, #tpu.memory_space<vmem>>, vector<16xf32>,
    %swap3A_70 = arith.constant 1 : i32
    %swap3A_71 = arith.index_cast %swap3A_70 : i32 to index
    %swap3A_72 = arith.constant 0 : index
    %swap3A_73 = tpu.vector_load %arg17[%swap3A_71, %swap3A_72] {strides = array<i32>} : memref<16x16xf32, #tpu.memory_space<vmem>>, vector<16xf32>,
    tpu.vector_store %arg17[%swap3A_71, %swap3A_72], %broadcast_in_dim3A_57 {strides = array<i32>} : memref<16x16xf32, #tpu.memory_space<vmem>>, vector<16xf32>,
    %swap3A_74 = arith.constant 2 : i32
    %swap3A_75 = arith.index_cast %swap3A_74 : i32 to index
    %swap3A_76 = arith.constant 0 : index
    %swap3A_77 = tpu.vector_load %arg16[%swap3A_75, %swap3A_76] {strides = array<i32>} : memref<16x16xf32, #tpu.memory_space<vmem>>, vector<16xf32>,
    tpu.vector_store %arg16[%swap3A_75, %swap3A_76], %broadcast_in_dim3A_57 {strides = array<i32>} : memref<16x16xf32, #tpu.memory_space<vmem>>, vector<16xf32>,
    %swap3A_78 = arith.constant 2 : i32
    %swap3A_79 = arith.index_cast %swap3A_78 : i32 to index
    %swap3A_80 = arith.constant 0 : index
    %swap3A_81 = tpu.vector_load %arg17[%swap3A_79, %swap3A_80] {strides = array<i32>} : memref<16x16xf32, #tpu.memory_space<vmem>>, vector<16xf32>,
    tpu.vector_store %arg17[%swap3A_79, %swap3A_80], %broadcast_in_dim3A_57 {strides = array<i32>} : memref<16x16xf32, #tpu.memory_space<vmem>>, vector<16xf32>,
    %swap3A_82 = arith.constant 3 : i32
    %swap3A_83 = arith.index_cast %swap3A_82 : i32 to index
    %swap3A_84 = arith.constant 0 : index
    %swap3A_85 = tpu.vector_load %arg16[%swap3A_83, %swap3A_84] {strides = array<i32>} : memref<16x16xf32, #tpu.memory_space<vmem>>, vector<16xf32>,
    tpu.vector_store %arg16[%swap3A_83, %swap3A_84], %broadcast_in_dim3A_57 {strides = array<i32>} : memref<16x16xf32, #tpu.memory_space<vmem>>, vector<16xf32>,
    %swap3A_86 = arith.constant 3 : i32
    %swap3A_87 = arith.index_cast %swap3A_86 : i32 to index
    %swap3A_88 = arith.constant 0 : index
    %swap3A_89 = tpu.vector_load %arg17[%swap3A_87, %swap3A_88] {strides = array<i32>} : memref<16x16xf32, #tpu.memory_space<vmem>>, vector<16xf32>,
    tpu.vector_store %arg17[%swap3A_87, %swap3A_88], %broadcast_in_dim3A_57 {strides = array<i32>} : memref<16x16xf32, #tpu.memory_space<vmem>>, vector<16xf32>,
    %swap3A_90 = arith.constant 4 : i32
    %swap3A_91 = arith.index_cast %swap3A_90 : i32 to index
    %swap3A_92 = arith.constant 0 : index
    %swap3A_93 = tpu.vector_load %arg16[%swap3A_91, %swap3A_92] {strides = array<i32>} : memref<16x16xf32, #tpu.memory_space<vmem>>, vector<16xf32>,
    tpu.vector_store %arg16[%swap3A_91, %swap3A_92], %broadcast_in_dim3A_57 {strides = array<i32>} : memref<16x16xf32, #tpu.memory_space<vmem>>, vector<16xf32>,
    %swap3A_94 = arith.constant 4 : i32
    %swap3A_95 = arith.index_cast %swap3A_94 : i32 to index
    %swap3A_96 = arith.constant 0 : index
    %swap3A_97 = tpu.vector_load %arg17[%swap3A_95, %swap3A_96] {strides = array<i32>} : memref<16x16xf32, #tpu.memory_space<vmem>>, vector<16xf32>,
    tpu.vector_store %arg17[%swap3A_95, %swap3A_96], %broadcast_in_dim3A_57 {strides = array<i32>} : memref<16x16xf32, #tpu.memory_space<vmem>>, vector<16xf32>,
    %swap3A_98 = arith.constant 5 : i32
    %swap3A_99 = arith.index_cast %swap3A_98 : i32 to index
    %swap3A_100 = arith.constant 0 : index
    %swap3A_101 = tpu.vector_load %arg16[%swap3A_99, %swap3A_100] {strides = array<i32>} : memref<16x16xf32, #tpu.memory_space<vmem>>, vector<16xf32>,
    tpu.vector_store %arg16[%swap3A_99, %swap3A_100], %broadcast_in_dim3A_57 {strides = array<i32>} : memref<16x16xf32, #tpu.memory_space<vmem>>, vector<16xf32>,
    %swap3A_102 = arith.constant 5 : i32
    %swap3A_103 = arith.index_cast %swap3A_102 : i32 to index
    %swap3A_104 = arith.constant 0 : index
    %swap3A_105 = tpu.vector_load %arg17[%swap3A_103, %swap3A_104] {strides = array<i32>} : memref<16x16xf32, #tpu.memory_space<vmem>>, vector<16xf32>,
    tpu.vector_store %arg17[%swap3A_103, %swap3A_104], %broadcast_in_dim3A_57 {strides = array<i32>} : memref<16x16xf32, #tpu.memory_space<vmem>>, vector<16xf32>,
    %swap3A_106 = arith.constant 6 : i32
    %swap3A_107 = arith.index_cast %swap3A_106 : i32 to index
    %swap3A_108 = arith.constant 0 : index
    %swap3A_109 = tpu.vector_load %arg16[%swap3A_107, %swap3A_108] {strides = array<i32>} : memref<16x16xf32, #tpu.memory_space<vmem>>, vector<16xf32>,
    tpu.vector_store %arg16[%swap3A_107, %swap3A_108], %broadcast_in_dim3A_57 {strides = array<i32>} : memref<16x16xf32, #tpu.memory_space<vmem>>, vector<16xf32>,
    %swap3A_110 = arith.constant 6 : i32
    %swap3A_111 = arith.index_cast %swap3A_110 : i32 to index
    %swap3A_112 = arith.constant 0 : index
    %swap3A_113 = tpu.vector_load %arg17[%swap3A_111, %swap3A_112] {strides = array<i32>} : memref<16x16xf32, #tpu.memory_space<vmem>>, vector<16xf32>,
    tpu.vector_store %arg17[%swap3A_111, %swap3A_112], %broadcast_in_dim3A_57 {strides = array<i32>} : memref<16x16xf32, #tpu.memory_space<vmem>>, vector<16xf32>,
    %swap3A_114 = arith.constant 7 : i32
    %swap3A_115 = arith.index_cast %swap3A_114 : i32 to index
    %swap3A_116 = arith.constant 0 : index
    %swap3A_117 = tpu.vector_load %arg16[%swap3A_115, %swap3A_116] {strides = array<i32>} : memref<16x16xf32, #tpu.memory_space<vmem>>, vector<16xf32>,
    tpu.vector_store %arg16[%swap3A_115, %swap3A_116], %broadcast_in_dim3A_57 {strides = array<i32>} : memref<16x16xf32, #tpu.memory_space<vmem>>, vector<16xf32>,
    %swap3A_118 = arith.constant 7 : i32
    %swap3A_119 = arith.index_cast %swap3A_118 : i32 to index
    %swap3A_120 = arith.constant 0 : index
    %swap3A_121 = tpu.vector_load %arg17[%swap3A_119, %swap3A_120] {strides = array<i32>} : memref<16x16xf32, #tpu.memory_space<vmem>>, vector<16xf32>,
    tpu.vector_store %arg17[%swap3A_119, %swap3A_120], %broadcast_in_dim3A_57 {strides = array<i32>} : memref<16x16xf32, #tpu.memory_space<vmem>>, vector<16xf32>,
    %swap3A_122 = arith.constant 8 : i32
    %swap3A_123 = arith.index_cast %swap3A_122 : i32 to index
    %swap3A_124 = arith.constant 0 : index
    %swap3A_125 = tpu.vector_load %arg16[%swap3A_123, %swap3A_124] {strides = array<i32>} : memref<16x16xf32, #tpu.memory_space<vmem>>, vector<16xf32>,
    tpu.vector_store %arg16[%swap3A_123, %swap3A_124], %broadcast_in_dim3A_57 {strides = array<i32>} : memref<16x16xf32, #tpu.memory_space<vmem>>, vector<16xf32>,
    %swap3A_126 = arith.constant 8 : i32
    %swap3A_127 = arith.index_cast %swap3A_126 : i32 to index
    %swap3A_128 = arith.constant 0 : index
    %swap3A_129 = tpu.vector_load %arg17[%swap3A_127, %swap3A_128] {strides = array<i32>} : memref<16x16xf32, #tpu.memory_space<vmem>>, vector<16xf32>,
    tpu.vector_store %arg17[%swap3A_127, %swap3A_128], %broadcast_in_dim3A_57 {strides = array<i32>} : memref<16x16xf32, #tpu.memory_space<vmem>>, vector<16xf32>,
    %swap3A_130 = arith.constant 9 : i32
    %swap3A_131 = arith.index_cast %swap3A_130 : i32 to index
    %swap3A_132 = arith.constant 0 : index
    %swap3A_133 = tpu.vector_load %arg16[%swap3A_131, %swap3A_132] {strides = array<i32>} : memref<16x16xf32, #tpu.memory_space<vmem>>, vector<16xf32>,
    tpu.vector_store %arg16[%swap3A_131, %swap3A_132], %broadcast_in_dim3A_57 {strides = array<i32>} : memref<16x16xf32, #tpu.memory_space<vmem>>, vector<16xf32>,
    %swap3A_134 = arith.constant 9 : i32
    %swap3A_135 = arith.index_cast %swap3A_134 : i32 to index
    %swap3A_136 = arith.constant 0 : index
    %swap3A_137 = tpu.vector_load %arg17[%swap3A_135, %swap3A_136] {strides = array<i32>} : memref<16x16xf32, #tpu.memory_space<vmem>>, vector<16xf32>,
    tpu.vector_store %arg17[%swap3A_135, %swap3A_136], %broadcast_in_dim3A_57 {strides = array<i32>} : memref<16x16xf32, #tpu.memory_space<vmem>>, vector<16xf32>,
    %swap3A_138 = arith.constant 10 : i32
    %swap3A_139 = arith.index_cast %swap3A_138 : i32 to index
    %swap3A_140 = arith.constant 0 : index
    %swap3A_141 = tpu.vector_load %arg16[%swap3A_139, %swap3A_140] {strides = array<i32>} : memref<16x16xf32, #tpu.memory_space<vmem>>, vector<16xf32>,
    tpu.vector_store %arg16[%swap3A_139, %swap3A_140], %broadcast_in_dim3A_57 {strides = array<i32>} : memref<16x16xf32, #tpu.memory_space<vmem>>, vector<16xf32>,
    %swap3A_142 = arith.constant 10 : i32
    %swap3A_143 = arith.index_cast %swap3A_142 : i32 to index
    %swap3A_144 = arith.constant 0 : index
    %swap3A_145 = tpu.vector_load %arg17[%swap3A_143, %swap3A_144] {strides = array<i32>} : memref<16x16xf32, #tpu.memory_space<vmem>>, vector<16xf32>,
    tpu.vector_store %arg17[%swap3A_143, %swap3A_144], %broadcast_in_dim3A_57 {strides = array<i32>} : memref<16x16xf32, #tpu.memory_space<vmem>>, vector<16xf32>,
    %swap3A_146 = arith.constant 11 : i32
    %swap3A_147 = arith.index_cast %swap3A_146 : i32 to index
    %swap3A_148 = arith.constant 0 : index
    %swap3A_149 = tpu.vector_load %arg16[%swap3A_147, %swap3A_148] {strides = array<i32>} : memref<16x16xf32, #tpu.memory_space<vmem>>, vector<16xf32>,
    tpu.vector_store %arg16[%swap3A_147, %swap3A_148], %broadcast_in_dim3A_57 {strides = array<i32>} : memref<16x16xf32, #tpu.memory_space<vmem>>, vector<16xf32>,
    %swap3A_150 = arith.constant 11 : i32
    %swap3A_151 = arith.index_cast %swap3A_150 : i32 to index
    %swap3A_152 = arith.constant 0 : index
    %swap3A_153 = tpu.vector_load %arg17[%swap3A_151, %swap3A_152] {strides = array<i32>} : memref<16x16xf32, #tpu.memory_space<vmem>>, vector<16xf32>,
    tpu.vector_store %arg17[%swap3A_151, %swap3A_152], %broadcast_in_dim3A_57 {strides = array<i32>} : memref<16x16xf32, #tpu.memory_space<vmem>>, vector<16xf32>,
    %swap3A_154 = arith.constant 12 : i32
    %swap3A_155 = arith.index_cast %swap3A_154 : i32 to index
    %swap3A_156 = arith.constant 0 : index
    %swap3A_157 = tpu.vector_load %arg16[%swap3A_155, %swap3A_156] {strides = array<i32>} : memref<16x16xf32, #tpu.memory_space<vmem>>, vector<16xf32>,
    tpu.vector_store %arg16[%swap3A_155, %swap3A_156], %broadcast_in_dim3A_57 {strides = array<i32>} : memref<16x16xf32, #tpu.memory_space<vmem>>, vector<16xf32>,
    %swap3A_158 = arith.constant 12 : i32
    %swap3A_159 = arith.index_cast %swap3A_158 : i32 to index
    %swap3A_160 = arith.constant 0 : index
    %swap3A_161 = tpu.vector_load %arg17[%swap3A_159, %swap3A_160] {strides = array<i32>} : memref<16x16xf32, #tpu.memory_space<vmem>>, vector<16xf32>,
    tpu.vector_store %arg17[%swap3A_159, %swap3A_160], %broadcast_in_dim3A_57 {strides = array<i32>} : memref<16x16xf32, #tpu.memory_space<vmem>>, vector<16xf32>,
    %swap3A_162 = arith.constant 13 : i32
    %swap3A_163 = arith.index_cast %swap3A_162 : i32 to index
    %swap3A_164 = arith.constant 0 : index
    %swap3A_165 = tpu.vector_load %arg16[%swap3A_163, %swap3A_164] {strides = array<i32>} : memref<16x16xf32, #tpu.memory_space<vmem>>, vector<16xf32>,
    tpu.vector_store %arg16[%swap3A_163, %swap3A_164], %broadcast_in_dim3A_57 {strides = array<i32>} : memref<16x16xf32, #tpu.memory_space<vmem>>, vector<16xf32>,
    %swap3A_166 = arith.constant 13 : i32
    %swap3A_167 = arith.index_cast %swap3A_166 : i32 to index
    %swap3A_168 = arith.constant 0 : index
    %swap3A_169 = tpu.vector_load %arg17[%swap3A_167, %swap3A_168] {strides = array<i32>} : memref<16x16xf32, #tpu.memory_space<vmem>>, vector<16xf32>,
    tpu.vector_store %arg17[%swap3A_167, %swap3A_168], %broadcast_in_dim3A_57 {strides = array<i32>} : memref<16x16xf32, #tpu.memory_space<vmem>>, vector<16xf32>,
    %swap3A_170 = arith.constant 14 : i32
    %swap3A_171 = arith.index_cast %swap3A_170 : i32 to index
    %swap3A_172 = arith.constant 0 : index
    %swap3A_173 = tpu.vector_load %arg16[%swap3A_171, %swap3A_172] {strides = array<i32>} : memref<16x16xf32, #tpu.memory_space<vmem>>, vector<16xf32>,
    tpu.vector_store %arg16[%swap3A_171, %swap3A_172], %broadcast_in_dim3A_57 {strides = array<i32>} : memref<16x16xf32, #tpu.memory_space<vmem>>, vector<16xf32>,
    %swap3A_174 = arith.constant 14 : i32
    %swap3A_175 = arith.index_cast %swap3A_174 : i32 to index
    %swap3A_176 = arith.constant 0 : index
    %swap3A_177 = tpu.vector_load %arg17[%swap3A_175, %swap3A_176] {strides = array<i32>} : memref<16x16xf32, #tpu.memory_space<vmem>>, vector<16xf32>,
    tpu.vector_store %arg17[%swap3A_175, %swap3A_176], %broadcast_in_dim3A_57 {strides = array<i32>} : memref<16x16xf32, #tpu.memory_space<vmem>>, vector<16xf32>,
    %swap3A_178 = arith.constant 15 : i32
    %swap3A_179 = arith.index_cast %swap3A_178 : i32 to index
    %swap3A_180 = arith.constant 0 : index
    %swap3A_181 = tpu.vector_load %arg16[%swap3A_179, %swap3A_180] {strides = array<i32>} : memref<16x16xf32, #tpu.memory_space<vmem>>, vector<16xf32>,
    tpu.vector_store %arg16[%swap3A_179, %swap3A_180], %broadcast_in_dim3A_57 {strides = array<i32>} : memref<16x16xf32, #tpu.memory_space<vmem>>, vector<16xf32>,
    %swap3A_182 = arith.constant 15 : i32
    %swap3A_183 = arith.index_cast %swap3A_182 : i32 to index
    %swap3A_184 = arith.constant 0 : index
    %swap3A_185 = tpu.vector_load %arg17[%swap3A_183, %swap3A_184] {strides = array<i32>} : memref<16x16xf32, #tpu.memory_space<vmem>>, vector<16xf32>,
    tpu.vector_store %arg17[%swap3A_183, %swap3A_184], %broadcast_in_dim3A_57 {strides = array<i32>} : memref<16x16xf32, #tpu.memory_space<vmem>>, vector<16xf32>,
    %iota3A = tpu.iota {dimensions = array<i32: 0>} : vector<16xi32>
    %broadcast_in_dim3A_186 = arith.constant 0 : i32
    %broadcast_in_dim3A_187 = vector.broadcast %broadcast_in_dim3A_186 : i32 to vector<16xi32>
    %add3A_188 = arith.constant 1 : i32
    %add3A_189 = vector.broadcast %add3A_188 : i32 to vector<16xi32>
    %add3A_190 = arith.addi %broadcast_in_dim3A_187, %add3A_189 : vector<16xi32>
    %add3A_191 = arith.constant 2 : i32
    %add3A_192 = vector.broadcast %add3A_191 : i32 to vector<16xi32>
    %add3A_193 = arith.addi %broadcast_in_dim3A_187, %add3A_192 : vector<16xi32>
    %parallel_loop3A = arith.constant 0 : i32
    %parallel_loop3A_194 = arith.constant 64 : i32
    %parallel_loop3A_195 = arith.constant 2 : i32
    scf.for %parallel_loop3A_357 = %parallel_loop3A to %parallel_loop3A_194 step %parallel_loop3A_195  : i32 {
      %parallel_loop3A_358 = arith.constant 8 : i32
      %parallel_loop3A_359 = arith.divsi %parallel_loop3A_357, %parallel_loop3A_358 : i32
      %parallel_loop3A_360 = vector.broadcast %parallel_loop3A_359 : i32 to vector<16xi32>
      %parallel_loop3A_361 = arith.addi %broadcast_in_dim3A_187, %parallel_loop3A_360 : vector<16xi32>
      %parallel_loop3A_362 = arith.constant 8 : i32
      %parallel_loop3A_363 = arith.remsi %parallel_loop3A_357, %parallel_loop3A_362 : i32
      %parallel_loop3A_364 = arith.constant 16 : i32
      %parallel_loop3A_365 = arith.muli %parallel_loop3A_363, %parallel_loop3A_364 : i32
      %parallel_loop3A_366 = vector.broadcast %parallel_loop3A_365 : i32 to vector<16xi32>
      %parallel_loop3A_367 = arith.addi %iota3A, %parallel_loop3A_366 : vector<16xi32>
      %parallel_loop3A_368 = tpu.vector_load_idx %arg8[%parallel_loop3A_361, %broadcast_in_dim3A_187, %parallel_loop3A_367] : memref<8x4x128xf32, #tpu.memory_space<vmem>>[vector<16xi32>, vector<16xi32>, vector<16xi32>], vector<16xf32>,
      %parallel_loop3A_369 = tpu.vector_load_idx %arg8[%parallel_loop3A_361, %add3A_190, %parallel_loop3A_367] : memref<8x4x128xf32, #tpu.memory_space<vmem>>[vector<16xi32>, vector<16xi32>, vector<16xi32>], vector<16xf32>,
      %parallel_loop3A_370 = tpu.vector_load_idx %arg8[%parallel_loop3A_361, %add3A_193, %parallel_loop3A_367] : memref<8x4x128xf32, #tpu.memory_space<vmem>>[vector<16xi32>, vector<16xi32>, vector<16xi32>], vector<16xf32>,
      %parallel_loop3A_371 = tpu.vector_load_idx %arg9[%parallel_loop3A_361, %broadcast_in_dim3A_187, %parallel_loop3A_367] : memref<8x4x128xf32, #tpu.memory_space<vmem>>[vector<16xi32>, vector<16xi32>, vector<16xi32>], vector<16xf32>,
      %parallel_loop3A_372 = tpu.vector_load_idx %arg9[%parallel_loop3A_361, %add3A_190, %parallel_loop3A_367] : memref<8x4x128xf32, #tpu.memory_space<vmem>>[vector<16xi32>, vector<16xi32>, vector<16xi32>], vector<16xf32>,
      %parallel_loop3A_373 = tpu.vector_load_idx %arg9[%parallel_loop3A_361, %add3A_193, %parallel_loop3A_367] : memref<8x4x128xf32, #tpu.memory_space<vmem>>[vector<16xi32>, vector<16xi32>, vector<16xi32>], vector<16xf32>,
      %parallel_loop3A_374 = arith.constant 16 : i32
      %parallel_loop3A_375 = arith.muli %parallel_loop3A_357, %parallel_loop3A_374 : i32
      %parallel_loop3A_376 = vector.broadcast %parallel_loop3A_375 : i32 to vector<16xi32>
      %parallel_loop3A_377 = arith.addi %iota3A, %parallel_loop3A_376 : vector<16xi32>
      %parallel_loop3A_378 = tpu.vector_load_idx %arg10[%parallel_loop3A_377] : memref<1024xi32, #tpu.memory_space<vmem>>[vector<16xi32>], vector<16xi32>,
      %parallel_loop3A_379 = arith.mulf %parallel_loop3A_368, %parallel_loop3A_371 : vector<16xf32>
      %parallel_loop3A_380 = arith.mulf %parallel_loop3A_369, %parallel_loop3A_372 : vector<16xf32>
      %parallel_loop3A_381 = arith.addf %parallel_loop3A_379, %parallel_loop3A_380 : vector<16xf32>
      %parallel_loop3A_382 = arith.mulf %parallel_loop3A_370, %parallel_loop3A_373 : vector<16xf32>
      %parallel_loop3A_383 = arith.addf %parallel_loop3A_381, %parallel_loop3A_382 : vector<16xf32>
      %parallel_loop3A_384 = arith.mulf %parallel_loop3A_368, %parallel_loop3A_368 : vector<16xf32>
      %parallel_loop3A_385 = arith.mulf %parallel_loop3A_369, %parallel_loop3A_369 : vector<16xf32>
      %parallel_loop3A_386 = arith.addf %parallel_loop3A_384, %parallel_loop3A_385 : vector<16xf32>
      %parallel_loop3A_387 = arith.mulf %parallel_loop3A_370, %parallel_loop3A_370 : vector<16xf32>
      %parallel_loop3A_388 = arith.addf %parallel_loop3A_386, %parallel_loop3A_387 : vector<16xf32>
      %parallel_loop3A_389 = arith.mulf %parallel_loop3A_371, %parallel_loop3A_371 : vector<16xf32>
      %parallel_loop3A_390 = arith.mulf %parallel_loop3A_372, %parallel_loop3A_372 : vector<16xf32>
      %parallel_loop3A_391 = arith.addf %parallel_loop3A_389, %parallel_loop3A_390 : vector<16xf32>
      %parallel_loop3A_392 = arith.mulf %parallel_loop3A_373, %parallel_loop3A_373 : vector<16xf32>
      %parallel_loop3A_393 = arith.addf %parallel_loop3A_391, %parallel_loop3A_392 : vector<16xf32>
      %parallel_loop3A_394 = arith.mulf %parallel_loop3A_388, %parallel_loop3A_393 : vector<16xf32>
      %parallel_loop3A_395 = tpu.bitcast %parallel_loop3A_394 : vector<16xf32> -> vector<16xi32>
      %parallel_loop3A_396 = arith.constant 1 : i32
      %parallel_loop3A_397 = vector.broadcast %parallel_loop3A_396 : i32 to vector<16xi32>
      %parallel_loop3A_398 = arith.shrsi %parallel_loop3A_395, %parallel_loop3A_397 : vector<16xi32>
      %parallel_loop3A_399 = arith.constant 1597463007 : i32
      %parallel_loop3A_400 = vector.broadcast %parallel_loop3A_399 : i32 to vector<16xi32>
      %parallel_loop3A_401 = arith.subi %parallel_loop3A_400, %parallel_loop3A_398 : vector<16xi32>
      %parallel_loop3A_402 = tpu.bitcast %parallel_loop3A_401 : vector<16xi32> -> vector<16xf32>
      %parallel_loop3A_403 = arith.constant 5.000000e-01 : f32
      %parallel_loop3A_404 = vector.broadcast %parallel_loop3A_403 : f32 to vector<16xf32>
      %parallel_loop3A_405 = arith.mulf %parallel_loop3A_404, %parallel_loop3A_394 : vector<16xf32>
      %parallel_loop3A_406 = arith.mulf %parallel_loop3A_405, %parallel_loop3A_402 : vector<16xf32>
      %parallel_loop3A_407 = arith.mulf %parallel_loop3A_406, %parallel_loop3A_402 : vector<16xf32>
      %parallel_loop3A_408 = arith.constant 1.500000e+00 : f32
      %parallel_loop3A_409 = vector.broadcast %parallel_loop3A_408 : f32 to vector<16xf32>
      %parallel_loop3A_410 = arith.subf %parallel_loop3A_409, %parallel_loop3A_407 : vector<16xf32>
      %parallel_loop3A_411 = arith.mulf %parallel_loop3A_402, %parallel_loop3A_410 : vector<16xf32>
      %parallel_loop3A_412 = arith.mulf %parallel_loop3A_405, %parallel_loop3A_411 : vector<16xf32>
      %parallel_loop3A_413 = arith.mulf %parallel_loop3A_412, %parallel_loop3A_411 : vector<16xf32>
      %parallel_loop3A_414 = arith.constant 1.500000e+00 : f32
      %parallel_loop3A_415 = vector.broadcast %parallel_loop3A_414 : f32 to vector<16xf32>
      %parallel_loop3A_416 = arith.subf %parallel_loop3A_415, %parallel_loop3A_413 : vector<16xf32>
      %parallel_loop3A_417 = arith.mulf %parallel_loop3A_411, %parallel_loop3A_416 : vector<16xf32>
      %parallel_loop3A_418 = arith.mulf %parallel_loop3A_383, %parallel_loop3A_417 : vector<16xf32>
      %parallel_loop3A_419 = tpu.vector_load_idx %arg13[%parallel_loop3A_378] : memref<16xf32, #tpu.memory_space<vmem>>[vector<16xi32>], vector<16xf32>,
      %parallel_loop3A_420 = tpu.vector_load_idx %arg14[%parallel_loop3A_378] : memref<16xf32, #tpu.memory_space<vmem>>[vector<16xi32>], vector<16xf32>,
      %parallel_loop3A_421 = tpu.vector_load_idx %arg15[%parallel_loop3A_378] : memref<16xf32, #tpu.memory_space<vmem>>[vector<16xi32>], vector<16xf32>,
      %parallel_loop3A_422 = arith.constant 1.000000e+00 : f32
      %parallel_loop3A_423 = vector.broadcast %parallel_loop3A_422 : f32 to vector<16xf32>
      %parallel_loop3A_424 = arith.subf %parallel_loop3A_418, %parallel_loop3A_423 : vector<16xf32>
      %parallel_loop3A_425 = arith.mulf %parallel_loop3A_419, %parallel_loop3A_424 : vector<16xf32>
      %parallel_loop3A_426 = arith.constant -8.800000e+01 : f32
      %parallel_loop3A_427 = vector.broadcast %parallel_loop3A_426 : f32 to vector<16xf32>
      %parallel_loop3A_428 = arith.maximumf %parallel_loop3A_425, %parallel_loop3A_427 : vector<16xf32>
      %parallel_loop3A_429 = math.exp %parallel_loop3A_428 : vector<16xf32>
      %parallel_loop3A_430 = arith.mulf %parallel_loop3A_420, %parallel_loop3A_429 : vector<16xf32>
      %parallel_loop3A_431 = arith.addf %parallel_loop3A_430, %parallel_loop3A_421 : vector<16xf32>
      %parallel_loop3A_432 = tpu.bitcast %parallel_loop3A_431 : vector<16xf32> -> vector<16xi32>
      %parallel_loop3A_433 = arith.constant 23 : i32
      %parallel_loop3A_434 = vector.broadcast %parallel_loop3A_433 : i32 to vector<16xi32>
      %parallel_loop3A_435 = arith.shrsi %parallel_loop3A_432, %parallel_loop3A_434 : vector<16xi32>
      %parallel_loop3A_436 = arith.constant 127 : i32
      %parallel_loop3A_437 = vector.broadcast %parallel_loop3A_436 : i32 to vector<16xi32>
      %parallel_loop3A_438 = arith.subi %parallel_loop3A_435, %parallel_loop3A_437 : vector<16xi32>
      %parallel_loop3A_439 = arith.constant 8388607 : i32
      %parallel_loop3A_440 = vector.broadcast %parallel_loop3A_439 : i32 to vector<16xi32>
      %parallel_loop3A_441 = arith.andi %parallel_loop3A_432, %parallel_loop3A_440 : vector<16xi32>
      %parallel_loop3A_442 = arith.constant 1065353216 : i32
      %parallel_loop3A_443 = vector.broadcast %parallel_loop3A_442 : i32 to vector<16xi32>
      %parallel_loop3A_444 = arith.ori %parallel_loop3A_441, %parallel_loop3A_443 : vector<16xi32>
      %parallel_loop3A_445 = tpu.bitcast %parallel_loop3A_444 : vector<16xi32> -> vector<16xf32>
      %parallel_loop3A_446 = arith.constant 1.000000e+00 : f32
      %parallel_loop3A_447 = vector.broadcast %parallel_loop3A_446 : f32 to vector<16xf32>
      %parallel_loop3A_448 = arith.subf %parallel_loop3A_445, %parallel_loop3A_447 : vector<16xf32>
      %parallel_loop3A_449 = arith.constant 1.000000e+00 : f32
      %parallel_loop3A_450 = vector.broadcast %parallel_loop3A_449 : f32 to vector<16xf32>
      %parallel_loop3A_451 = arith.addf %parallel_loop3A_445, %parallel_loop3A_450 : vector<16xf32>
      %parallel_loop3A_452 = arith.divf %parallel_loop3A_448, %parallel_loop3A_451 : vector<16xf32>
      %parallel_loop3A_453 = arith.mulf %parallel_loop3A_452, %parallel_loop3A_452 : vector<16xf32>
      %parallel_loop3A_454 = arith.constant 0.222222224 : f32
      %parallel_loop3A_455 = vector.broadcast %parallel_loop3A_454 : f32 to vector<16xf32>
      %parallel_loop3A_456 = arith.mulf %parallel_loop3A_453, %parallel_loop3A_455 : vector<16xf32>
      %parallel_loop3A_457 = arith.constant 0.285714298 : f32
      %parallel_loop3A_458 = vector.broadcast %parallel_loop3A_457 : f32 to vector<16xf32>
      %parallel_loop3A_459 = arith.addf %parallel_loop3A_458, %parallel_loop3A_456 : vector<16xf32>
      %parallel_loop3A_460 = arith.mulf %parallel_loop3A_453, %parallel_loop3A_459 : vector<16xf32>
      %parallel_loop3A_461 = arith.constant 4.000000e-01 : f32
      %parallel_loop3A_462 = vector.broadcast %parallel_loop3A_461 : f32 to vector<16xf32>
      %parallel_loop3A_463 = arith.addf %parallel_loop3A_462, %parallel_loop3A_460 : vector<16xf32>
      %parallel_loop3A_464 = arith.mulf %parallel_loop3A_453, %parallel_loop3A_463 : vector<16xf32>
      %parallel_loop3A_465 = arith.constant 0.666666686 : f32
      %parallel_loop3A_466 = vector.broadcast %parallel_loop3A_465 : f32 to vector<16xf32>
      %parallel_loop3A_467 = arith.addf %parallel_loop3A_466, %parallel_loop3A_464 : vector<16xf32>
      %parallel_loop3A_468 = arith.mulf %parallel_loop3A_453, %parallel_loop3A_467 : vector<16xf32>
      %parallel_loop3A_469 = arith.constant 2.000000e+00 : f32
      %parallel_loop3A_470 = vector.broadcast %parallel_loop3A_469 : f32 to vector<16xf32>
      %parallel_loop3A_471 = arith.addf %parallel_loop3A_470, %parallel_loop3A_468 : vector<16xf32>
      %parallel_loop3A_472 = arith.mulf %parallel_loop3A_452, %parallel_loop3A_471 : vector<16xf32>
      %parallel_loop3A_473 = arith.sitofp %parallel_loop3A_438 : vector<16xi32> to vector<16xf32>
      %parallel_loop3A_474 = arith.constant 0.693147182 : f32
      %parallel_loop3A_475 = vector.broadcast %parallel_loop3A_474 : f32 to vector<16xf32>
      %parallel_loop3A_476 = arith.mulf %parallel_loop3A_473, %parallel_loop3A_475 : vector<16xf32>
      %parallel_loop3A_477 = arith.addf %parallel_loop3A_476, %parallel_loop3A_472 : vector<16xf32>
      tpu.vector_store_idx %arg16[%iota3A, %parallel_loop3A_378], %parallel_loop3A_477 {add = true} : memref<16x16xf32, #tpu.memory_space<vmem>>[vector<16xi32>, vector<16xi32>], vector<16xf32>,
      %parallel_loop3A_478 = arith.constant 1 : i32
      %parallel_loop3A_479 = arith.addi %parallel_loop3A_357, %parallel_loop3A_478 : i32
      %parallel_loop3A_480 = arith.constant 8 : i32
      %parallel_loop3A_481 = arith.divsi %parallel_loop3A_479, %parallel_loop3A_480 : i32
      %parallel_loop3A_482 = vector.broadcast %parallel_loop3A_481 : i32 to vector<16xi32>
      %parallel_loop3A_483 = arith.addi %broadcast_in_dim3A_187, %parallel_loop3A_482 : vector<16xi32>
      %parallel_loop3A_484 = arith.constant 8 : i32
      %parallel_loop3A_485 = arith.remsi %parallel_loop3A_479, %parallel_loop3A_484 : i32
      %parallel_loop3A_486 = arith.constant 16 : i32
      %parallel_loop3A_487 = arith.muli %parallel_loop3A_485, %parallel_loop3A_486 : i32
      %parallel_loop3A_488 = vector.broadcast %parallel_loop3A_487 : i32 to vector<16xi32>
      %parallel_loop3A_489 = arith.addi %iota3A, %parallel_loop3A_488 : vector<16xi32>
      %parallel_loop3A_490 = tpu.vector_load_idx %arg8[%parallel_loop3A_483, %broadcast_in_dim3A_187, %parallel_loop3A_489] : memref<8x4x128xf32, #tpu.memory_space<vmem>>[vector<16xi32>, vector<16xi32>, vector<16xi32>], vector<16xf32>,
      %parallel_loop3A_491 = tpu.vector_load_idx %arg8[%parallel_loop3A_483, %add3A_190, %parallel_loop3A_489] : memref<8x4x128xf32, #tpu.memory_space<vmem>>[vector<16xi32>, vector<16xi32>, vector<16xi32>], vector<16xf32>,
      %parallel_loop3A_492 = tpu.vector_load_idx %arg8[%parallel_loop3A_483, %add3A_193, %parallel_loop3A_489] : memref<8x4x128xf32, #tpu.memory_space<vmem>>[vector<16xi32>, vector<16xi32>, vector<16xi32>], vector<16xf32>,
      %parallel_loop3A_493 = tpu.vector_load_idx %arg9[%parallel_loop3A_483, %broadcast_in_dim3A_187, %parallel_loop3A_489] : memref<8x4x128xf32, #tpu.memory_space<vmem>>[vector<16xi32>, vector<16xi32>, vector<16xi32>], vector<16xf32>,
      %parallel_loop3A_494 = tpu.vector_load_idx %arg9[%parallel_loop3A_483, %add3A_190, %parallel_loop3A_489] : memref<8x4x128xf32, #tpu.memory_space<vmem>>[vector<16xi32>, vector<16xi32>, vector<16xi32>], vector<16xf32>,
      %parallel_loop3A_495 = tpu.vector_load_idx %arg9[%parallel_loop3A_483, %add3A_193, %parallel_loop3A_489] : memref<8x4x128xf32, #tpu.memory_space<vmem>>[vector<16xi32>, vector<16xi32>, vector<16xi32>], vector<16xf32>,
      %parallel_loop3A_496 = arith.constant 16 : i32
      %parallel_loop3A_497 = arith.muli %parallel_loop3A_479, %parallel_loop3A_496 : i32
      %parallel_loop3A_498 = vector.broadcast %parallel_loop3A_497 : i32 to vector<16xi32>
      %parallel_loop3A_499 = arith.addi %iota3A, %parallel_loop3A_498 : vector<16xi32>
      %parallel_loop3A_500 = tpu.vector_load_idx %arg10[%parallel_loop3A_499] : memref<1024xi32, #tpu.memory_space<vmem>>[vector<16xi32>], vector<16xi32>,
      %parallel_loop3A_501 = arith.mulf %parallel_loop3A_490, %parallel_loop3A_493 : vector<16xf32>
      %parallel_loop3A_502 = arith.mulf %parallel_loop3A_491, %parallel_loop3A_494 : vector<16xf32>
      %parallel_loop3A_503 = arith.addf %parallel_loop3A_501, %parallel_loop3A_502 : vector<16xf32>
      %parallel_loop3A_504 = arith.mulf %parallel_loop3A_492, %parallel_loop3A_495 : vector<16xf32>
      %parallel_loop3A_505 = arith.addf %parallel_loop3A_503, %parallel_loop3A_504 : vector<16xf32>
      %parallel_loop3A_506 = arith.mulf %parallel_loop3A_490, %parallel_loop3A_490 : vector<16xf32>
      %parallel_loop3A_507 = arith.mulf %parallel_loop3A_491, %parallel_loop3A_491 : vector<16xf32>
      %parallel_loop3A_508 = arith.addf %parallel_loop3A_506, %parallel_loop3A_507 : vector<16xf32>
      %parallel_loop3A_509 = arith.mulf %parallel_loop3A_492, %parallel_loop3A_492 : vector<16xf32>
      %parallel_loop3A_510 = arith.addf %parallel_loop3A_508, %parallel_loop3A_509 : vector<16xf32>
      %parallel_loop3A_511 = arith.mulf %parallel_loop3A_493, %parallel_loop3A_493 : vector<16xf32>
      %parallel_loop3A_512 = arith.mulf %parallel_loop3A_494, %parallel_loop3A_494 : vector<16xf32>
      %parallel_loop3A_513 = arith.addf %parallel_loop3A_511, %parallel_loop3A_512 : vector<16xf32>
      %parallel_loop3A_514 = arith.mulf %parallel_loop3A_495, %parallel_loop3A_495 : vector<16xf32>
      %parallel_loop3A_515 = arith.addf %parallel_loop3A_513, %parallel_loop3A_514 : vector<16xf32>
      %parallel_loop3A_516 = arith.mulf %parallel_loop3A_510, %parallel_loop3A_515 : vector<16xf32>
      %parallel_loop3A_517 = tpu.bitcast %parallel_loop3A_516 : vector<16xf32> -> vector<16xi32>
      %parallel_loop3A_518 = arith.constant 1 : i32
      %parallel_loop3A_519 = vector.broadcast %parallel_loop3A_518 : i32 to vector<16xi32>
      %parallel_loop3A_520 = arith.shrsi %parallel_loop3A_517, %parallel_loop3A_519 : vector<16xi32>
      %parallel_loop3A_521 = arith.constant 1597463007 : i32
      %parallel_loop3A_522 = vector.broadcast %parallel_loop3A_521 : i32 to vector<16xi32>
      %parallel_loop3A_523 = arith.subi %parallel_loop3A_522, %parallel_loop3A_520 : vector<16xi32>
      %parallel_loop3A_524 = tpu.bitcast %parallel_loop3A_523 : vector<16xi32> -> vector<16xf32>
      %parallel_loop3A_525 = arith.constant 5.000000e-01 : f32
      %parallel_loop3A_526 = vector.broadcast %parallel_loop3A_525 : f32 to vector<16xf32>
      %parallel_loop3A_527 = arith.mulf %parallel_loop3A_526, %parallel_loop3A_516 : vector<16xf32>
      %parallel_loop3A_528 = arith.mulf %parallel_loop3A_527, %parallel_loop3A_524 : vector<16xf32>
      %parallel_loop3A_529 = arith.mulf %parallel_loop3A_528, %parallel_loop3A_524 : vector<16xf32>
      %parallel_loop3A_530 = arith.constant 1.500000e+00 : f32
      %parallel_loop3A_531 = vector.broadcast %parallel_loop3A_530 : f32 to vector<16xf32>
      %parallel_loop3A_532 = arith.subf %parallel_loop3A_531, %parallel_loop3A_529 : vector<16xf32>
      %parallel_loop3A_533 = arith.mulf %parallel_loop3A_524, %parallel_loop3A_532 : vector<16xf32>
      %parallel_loop3A_534 = arith.mulf %parallel_loop3A_527, %parallel_loop3A_533 : vector<16xf32>
      %parallel_loop3A_535 = arith.mulf %parallel_loop3A_534, %parallel_loop3A_533 : vector<16xf32>
      %parallel_loop3A_536 = arith.constant 1.500000e+00 : f32
      %parallel_loop3A_537 = vector.broadcast %parallel_loop3A_536 : f32 to vector<16xf32>
      %parallel_loop3A_538 = arith.subf %parallel_loop3A_537, %parallel_loop3A_535 : vector<16xf32>
      %parallel_loop3A_539 = arith.mulf %parallel_loop3A_533, %parallel_loop3A_538 : vector<16xf32>
      %parallel_loop3A_540 = arith.mulf %parallel_loop3A_505, %parallel_loop3A_539 : vector<16xf32>
      %parallel_loop3A_541 = tpu.vector_load_idx %arg13[%parallel_loop3A_500] : memref<16xf32, #tpu.memory_space<vmem>>[vector<16xi32>], vector<16xf32>,
      %parallel_loop3A_542 = tpu.vector_load_idx %arg14[%parallel_loop3A_500] : memref<16xf32, #tpu.memory_space<vmem>>[vector<16xi32>], vector<16xf32>,
      %parallel_loop3A_543 = tpu.vector_load_idx %arg15[%parallel_loop3A_500] : memref<16xf32, #tpu.memory_space<vmem>>[vector<16xi32>], vector<16xf32>,
      %parallel_loop3A_544 = arith.constant 1.000000e+00 : f32
      %parallel_loop3A_545 = vector.broadcast %parallel_loop3A_544 : f32 to vector<16xf32>
      %parallel_loop3A_546 = arith.subf %parallel_loop3A_540, %parallel_loop3A_545 : vector<16xf32>
      %parallel_loop3A_547 = arith.mulf %parallel_loop3A_541, %parallel_loop3A_546 : vector<16xf32>
      %parallel_loop3A_548 = arith.constant -8.800000e+01 : f32
      %parallel_loop3A_549 = vector.broadcast %parallel_loop3A_548 : f32 to vector<16xf32>
      %parallel_loop3A_550 = arith.maximumf %parallel_loop3A_547, %parallel_loop3A_549 : vector<16xf32>
      %parallel_loop3A_551 = math.exp %parallel_loop3A_550 : vector<16xf32>
      %parallel_loop3A_552 = arith.mulf %parallel_loop3A_542, %parallel_loop3A_551 : vector<16xf32>
      %parallel_loop3A_553 = arith.addf %parallel_loop3A_552, %parallel_loop3A_543 : vector<16xf32>
      %parallel_loop3A_554 = tpu.bitcast %parallel_loop3A_553 : vector<16xf32> -> vector<16xi32>
      %parallel_loop3A_555 = arith.constant 23 : i32
      %parallel_loop3A_556 = vector.broadcast %parallel_loop3A_555 : i32 to vector<16xi32>
      %parallel_loop3A_557 = arith.shrsi %parallel_loop3A_554, %parallel_loop3A_556 : vector<16xi32>
      %parallel_loop3A_558 = arith.constant 127 : i32
      %parallel_loop3A_559 = vector.broadcast %parallel_loop3A_558 : i32 to vector<16xi32>
      %parallel_loop3A_560 = arith.subi %parallel_loop3A_557, %parallel_loop3A_559 : vector<16xi32>
      %parallel_loop3A_561 = arith.constant 8388607 : i32
      %parallel_loop3A_562 = vector.broadcast %parallel_loop3A_561 : i32 to vector<16xi32>
      %parallel_loop3A_563 = arith.andi %parallel_loop3A_554, %parallel_loop3A_562 : vector<16xi32>
      %parallel_loop3A_564 = arith.constant 1065353216 : i32
      %parallel_loop3A_565 = vector.broadcast %parallel_loop3A_564 : i32 to vector<16xi32>
      %parallel_loop3A_566 = arith.ori %parallel_loop3A_563, %parallel_loop3A_565 : vector<16xi32>
      %parallel_loop3A_567 = tpu.bitcast %parallel_loop3A_566 : vector<16xi32> -> vector<16xf32>
      %parallel_loop3A_568 = arith.constant 1.000000e+00 : f32
      %parallel_loop3A_569 = vector.broadcast %parallel_loop3A_568 : f32 to vector<16xf32>
      %parallel_loop3A_570 = arith.subf %parallel_loop3A_567, %parallel_loop3A_569 : vector<16xf32>
      %parallel_loop3A_571 = arith.constant 1.000000e+00 : f32
      %parallel_loop3A_572 = vector.broadcast %parallel_loop3A_571 : f32 to vector<16xf32>
      %parallel_loop3A_573 = arith.addf %parallel_loop3A_567, %parallel_loop3A_572 : vector<16xf32>
      %parallel_loop3A_574 = arith.divf %parallel_loop3A_570, %parallel_loop3A_573 : vector<16xf32>
      %parallel_loop3A_575 = arith.mulf %parallel_loop3A_574, %parallel_loop3A_574 : vector<16xf32>
      %parallel_loop3A_576 = arith.constant 0.222222224 : f32
      %parallel_loop3A_577 = vector.broadcast %parallel_loop3A_576 : f32 to vector<16xf32>
      %parallel_loop3A_578 = arith.mulf %parallel_loop3A_575, %parallel_loop3A_577 : vector<16xf32>
      %parallel_loop3A_579 = arith.constant 0.285714298 : f32
      %parallel_loop3A_580 = vector.broadcast %parallel_loop3A_579 : f32 to vector<16xf32>
      %parallel_loop3A_581 = arith.addf %parallel_loop3A_580, %parallel_loop3A_578 : vector<16xf32>
      %parallel_loop3A_582 = arith.mulf %parallel_loop3A_575, %parallel_loop3A_581 : vector<16xf32>
      %parallel_loop3A_583 = arith.constant 4.000000e-01 : f32
      %parallel_loop3A_584 = vector.broadcast %parallel_loop3A_583 : f32 to vector<16xf32>
      %parallel_loop3A_585 = arith.addf %parallel_loop3A_584, %parallel_loop3A_582 : vector<16xf32>
      %parallel_loop3A_586 = arith.mulf %parallel_loop3A_575, %parallel_loop3A_585 : vector<16xf32>
      %parallel_loop3A_587 = arith.constant 0.666666686 : f32
      %parallel_loop3A_588 = vector.broadcast %parallel_loop3A_587 : f32 to vector<16xf32>
      %parallel_loop3A_589 = arith.addf %parallel_loop3A_588, %parallel_loop3A_586 : vector<16xf32>
      %parallel_loop3A_590 = arith.mulf %parallel_loop3A_575, %parallel_loop3A_589 : vector<16xf32>
      %parallel_loop3A_591 = arith.constant 2.000000e+00 : f32
      %parallel_loop3A_592 = vector.broadcast %parallel_loop3A_591 : f32 to vector<16xf32>
      %parallel_loop3A_593 = arith.addf %parallel_loop3A_592, %parallel_loop3A_590 : vector<16xf32>
      %parallel_loop3A_594 = arith.mulf %parallel_loop3A_574, %parallel_loop3A_593 : vector<16xf32>
      %parallel_loop3A_595 = arith.sitofp %parallel_loop3A_560 : vector<16xi32> to vector<16xf32>
      %parallel_loop3A_596 = arith.constant 0.693147182 : f32
      %parallel_loop3A_597 = vector.broadcast %parallel_loop3A_596 : f32 to vector<16xf32>
      %parallel_loop3A_598 = arith.mulf %parallel_loop3A_595, %parallel_loop3A_597 : vector<16xf32>
      %parallel_loop3A_599 = arith.addf %parallel_loop3A_598, %parallel_loop3A_594 : vector<16xf32>
      tpu.vector_store_idx %arg17[%iota3A, %parallel_loop3A_500], %parallel_loop3A_599 {add = true} : memref<16x16xf32, #tpu.memory_space<vmem>>[vector<16xi32>, vector<16xi32>], vector<16xf32>,
    } {sc.loop_unroll_factor = 4 : i64, sc.parallel_access}
    %get3A_196 = arith.constant 0 : i32
    %get3A_197 = arith.index_cast %get3A_196 : i32 to index
    %get3A_198 = arith.constant 0 : index
    %get3A_199 = tpu.vector_load %arg16[%get3A_197, %get3A_198] {strides = array<i32>} : memref<16x16xf32, #tpu.memory_space<vmem>>, vector<16xf32>,
    %get3A_200 = arith.constant 0 : i32
    %get3A_201 = arith.index_cast %get3A_200 : i32 to index
    %get3A_202 = arith.constant 0 : index
    %get3A_203 = tpu.vector_load %arg17[%get3A_201, %get3A_202] {strides = array<i32>} : memref<16x16xf32, #tpu.memory_space<vmem>>, vector<16xf32>,
    %add3A_204 = arith.addf %get3A_199, %get3A_203 : vector<16xf32>
    %get3A_205 = arith.constant 1 : i32
    %get3A_206 = arith.index_cast %get3A_205 : i32 to index
    %get3A_207 = arith.constant 0 : index
    %get3A_208 = tpu.vector_load %arg16[%get3A_206, %get3A_207] {strides = array<i32>} : memref<16x16xf32, #tpu.memory_space<vmem>>, vector<16xf32>,
    %add3A_209 = arith.addf %add3A_204, %get3A_208 : vector<16xf32>
    %get3A_210 = arith.constant 1 : i32
    %get3A_211 = arith.index_cast %get3A_210 : i32 to index
    %get3A_212 = arith.constant 0 : index
    %get3A_213 = tpu.vector_load %arg17[%get3A_211, %get3A_212] {strides = array<i32>} : memref<16x16xf32, #tpu.memory_space<vmem>>, vector<16xf32>,
    %add3A_214 = arith.addf %add3A_209, %get3A_213 : vector<16xf32>
    %get3A_215 = arith.constant 2 : i32
    %get3A_216 = arith.index_cast %get3A_215 : i32 to index
    %get3A_217 = arith.constant 0 : index
    %get3A_218 = tpu.vector_load %arg16[%get3A_216, %get3A_217] {strides = array<i32>} : memref<16x16xf32, #tpu.memory_space<vmem>>, vector<16xf32>,
    %add3A_219 = arith.addf %add3A_214, %get3A_218 : vector<16xf32>
    %get3A_220 = arith.constant 2 : i32
    %get3A_221 = arith.index_cast %get3A_220 : i32 to index
    %get3A_222 = arith.constant 0 : index
    %get3A_223 = tpu.vector_load %arg17[%get3A_221, %get3A_222] {strides = array<i32>} : memref<16x16xf32, #tpu.memory_space<vmem>>, vector<16xf32>,
    %add3A_224 = arith.addf %add3A_219, %get3A_223 : vector<16xf32>
    %get3A_225 = arith.constant 3 : i32
    %get3A_226 = arith.index_cast %get3A_225 : i32 to index
    %get3A_227 = arith.constant 0 : index
    %get3A_228 = tpu.vector_load %arg16[%get3A_226, %get3A_227] {strides = array<i32>} : memref<16x16xf32, #tpu.memory_space<vmem>>, vector<16xf32>,
    %add3A_229 = arith.addf %add3A_224, %get3A_228 : vector<16xf32>
    %get3A_230 = arith.constant 3 : i32
    %get3A_231 = arith.index_cast %get3A_230 : i32 to index
    %get3A_232 = arith.constant 0 : index
    %get3A_233 = tpu.vector_load %arg17[%get3A_231, %get3A_232] {strides = array<i32>} : memref<16x16xf32, #tpu.memory_space<vmem>>, vector<16xf32>,
    %add3A_234 = arith.addf %add3A_229, %get3A_233 : vector<16xf32>
    %get3A_235 = arith.constant 4 : i32
    %get3A_236 = arith.index_cast %get3A_235 : i32 to index
    %get3A_237 = arith.constant 0 : index
    %get3A_238 = tpu.vector_load %arg16[%get3A_236, %get3A_237] {strides = array<i32>} : memref<16x16xf32, #tpu.memory_space<vmem>>, vector<16xf32>,
    %add3A_239 = arith.addf %add3A_234, %get3A_238 : vector<16xf32>
    %get3A_240 = arith.constant 4 : i32
    %get3A_241 = arith.index_cast %get3A_240 : i32 to index
    %get3A_242 = arith.constant 0 : index
    %get3A_243 = tpu.vector_load %arg17[%get3A_241, %get3A_242] {strides = array<i32>} : memref<16x16xf32, #tpu.memory_space<vmem>>, vector<16xf32>,
    %add3A_244 = arith.addf %add3A_239, %get3A_243 : vector<16xf32>
    %get3A_245 = arith.constant 5 : i32
    %get3A_246 = arith.index_cast %get3A_245 : i32 to index
    %get3A_247 = arith.constant 0 : index
    %get3A_248 = tpu.vector_load %arg16[%get3A_246, %get3A_247] {strides = array<i32>} : memref<16x16xf32, #tpu.memory_space<vmem>>, vector<16xf32>,
    %add3A_249 = arith.addf %add3A_244, %get3A_248 : vector<16xf32>
    %get3A_250 = arith.constant 5 : i32
    %get3A_251 = arith.index_cast %get3A_250 : i32 to index
    %get3A_252 = arith.constant 0 : index
    %get3A_253 = tpu.vector_load %arg17[%get3A_251, %get3A_252] {strides = array<i32>} : memref<16x16xf32, #tpu.memory_space<vmem>>, vector<16xf32>,
    %add3A_254 = arith.addf %add3A_249, %get3A_253 : vector<16xf32>
    %get3A_255 = arith.constant 6 : i32
    %get3A_256 = arith.index_cast %get3A_255 : i32 to index
    %get3A_257 = arith.constant 0 : index
    %get3A_258 = tpu.vector_load %arg16[%get3A_256, %get3A_257] {strides = array<i32>} : memref<16x16xf32, #tpu.memory_space<vmem>>, vector<16xf32>,
    %add3A_259 = arith.addf %add3A_254, %get3A_258 : vector<16xf32>
    %get3A_260 = arith.constant 6 : i32
    %get3A_261 = arith.index_cast %get3A_260 : i32 to index
    %get3A_262 = arith.constant 0 : index
    %get3A_263 = tpu.vector_load %arg17[%get3A_261, %get3A_262] {strides = array<i32>} : memref<16x16xf32, #tpu.memory_space<vmem>>, vector<16xf32>,
    %add3A_264 = arith.addf %add3A_259, %get3A_263 : vector<16xf32>
    %get3A_265 = arith.constant 7 : i32
    %get3A_266 = arith.index_cast %get3A_265 : i32 to index
    %get3A_267 = arith.constant 0 : index
    %get3A_268 = tpu.vector_load %arg16[%get3A_266, %get3A_267] {strides = array<i32>} : memref<16x16xf32, #tpu.memory_space<vmem>>, vector<16xf32>,
    %add3A_269 = arith.addf %add3A_264, %get3A_268 : vector<16xf32>
    %get3A_270 = arith.constant 7 : i32
    %get3A_271 = arith.index_cast %get3A_270 : i32 to index
    %get3A_272 = arith.constant 0 : index
    %get3A_273 = tpu.vector_load %arg17[%get3A_271, %get3A_272] {strides = array<i32>} : memref<16x16xf32, #tpu.memory_space<vmem>>, vector<16xf32>,
    %add3A_274 = arith.addf %add3A_269, %get3A_273 : vector<16xf32>
    %get3A_275 = arith.constant 8 : i32
    %get3A_276 = arith.index_cast %get3A_275 : i32 to index
    %get3A_277 = arith.constant 0 : index
    %get3A_278 = tpu.vector_load %arg16[%get3A_276, %get3A_277] {strides = array<i32>} : memref<16x16xf32, #tpu.memory_space<vmem>>, vector<16xf32>,
    %add3A_279 = arith.addf %add3A_274, %get3A_278 : vector<16xf32>
    %get3A_280 = arith.constant 8 : i32
    %get3A_281 = arith.index_cast %get3A_280 : i32 to index
    %get3A_282 = arith.constant 0 : index
    %get3A_283 = tpu.vector_load %arg17[%get3A_281, %get3A_282] {strides = array<i32>} : memref<16x16xf32, #tpu.memory_space<vmem>>, vector<16xf32>,
    %add3A_284 = arith.addf %add3A_279, %get3A_283 : vector<16xf32>
    %get3A_285 = arith.constant 9 : i32
    %get3A_286 = arith.index_cast %get3A_285 : i32 to index
    %get3A_287 = arith.constant 0 : index
    %get3A_288 = tpu.vector_load %arg16[%get3A_286, %get3A_287] {strides = array<i32>} : memref<16x16xf32, #tpu.memory_space<vmem>>, vector<16xf32>,
    %add3A_289 = arith.addf %add3A_284, %get3A_288 : vector<16xf32>
    %get3A_290 = arith.constant 9 : i32
    %get3A_291 = arith.index_cast %get3A_290 : i32 to index
    %get3A_292 = arith.constant 0 : index
    %get3A_293 = tpu.vector_load %arg17[%get3A_291, %get3A_292] {strides = array<i32>} : memref<16x16xf32, #tpu.memory_space<vmem>>, vector<16xf32>,
    %add3A_294 = arith.addf %add3A_289, %get3A_293 : vector<16xf32>
    %get3A_295 = arith.constant 10 : i32
    %get3A_296 = arith.index_cast %get3A_295 : i32 to index
    %get3A_297 = arith.constant 0 : index
    %get3A_298 = tpu.vector_load %arg16[%get3A_296, %get3A_297] {strides = array<i32>} : memref<16x16xf32, #tpu.memory_space<vmem>>, vector<16xf32>,
    %add3A_299 = arith.addf %add3A_294, %get3A_298 : vector<16xf32>
    %get3A_300 = arith.constant 10 : i32
    %get3A_301 = arith.index_cast %get3A_300 : i32 to index
    %get3A_302 = arith.constant 0 : index
    %get3A_303 = tpu.vector_load %arg17[%get3A_301, %get3A_302] {strides = array<i32>} : memref<16x16xf32, #tpu.memory_space<vmem>>, vector<16xf32>,
    %add3A_304 = arith.addf %add3A_299, %get3A_303 : vector<16xf32>
    %get3A_305 = arith.constant 11 : i32
    %get3A_306 = arith.index_cast %get3A_305 : i32 to index
    %get3A_307 = arith.constant 0 : index
    %get3A_308 = tpu.vector_load %arg16[%get3A_306, %get3A_307] {strides = array<i32>} : memref<16x16xf32, #tpu.memory_space<vmem>>, vector<16xf32>,
    %add3A_309 = arith.addf %add3A_304, %get3A_308 : vector<16xf32>
    %get3A_310 = arith.constant 11 : i32
    %get3A_311 = arith.index_cast %get3A_310 : i32 to index
    %get3A_312 = arith.constant 0 : index
    %get3A_313 = tpu.vector_load %arg17[%get3A_311, %get3A_312] {strides = array<i32>} : memref<16x16xf32, #tpu.memory_space<vmem>>, vector<16xf32>,
    %add3A_314 = arith.addf %add3A_309, %get3A_313 : vector<16xf32>
    %get3A_315 = arith.constant 12 : i32
    %get3A_316 = arith.index_cast %get3A_315 : i32 to index
    %get3A_317 = arith.constant 0 : index
    %get3A_318 = tpu.vector_load %arg16[%get3A_316, %get3A_317] {strides = array<i32>} : memref<16x16xf32, #tpu.memory_space<vmem>>, vector<16xf32>,
    %add3A_319 = arith.addf %add3A_314, %get3A_318 : vector<16xf32>
    %get3A_320 = arith.constant 12 : i32
    %get3A_321 = arith.index_cast %get3A_320 : i32 to index
    %get3A_322 = arith.constant 0 : index
    %get3A_323 = tpu.vector_load %arg17[%get3A_321, %get3A_322] {strides = array<i32>} : memref<16x16xf32, #tpu.memory_space<vmem>>, vector<16xf32>,
    %add3A_324 = arith.addf %add3A_319, %get3A_323 : vector<16xf32>
    %get3A_325 = arith.constant 13 : i32
    %get3A_326 = arith.index_cast %get3A_325 : i32 to index
    %get3A_327 = arith.constant 0 : index
    %get3A_328 = tpu.vector_load %arg16[%get3A_326, %get3A_327] {strides = array<i32>} : memref<16x16xf32, #tpu.memory_space<vmem>>, vector<16xf32>,
    %add3A_329 = arith.addf %add3A_324, %get3A_328 : vector<16xf32>
    %get3A_330 = arith.constant 13 : i32
    %get3A_331 = arith.index_cast %get3A_330 : i32 to index
    %get3A_332 = arith.constant 0 : index
    %get3A_333 = tpu.vector_load %arg17[%get3A_331, %get3A_332] {strides = array<i32>} : memref<16x16xf32, #tpu.memory_space<vmem>>, vector<16xf32>,
    %add3A_334 = arith.addf %add3A_329, %get3A_333 : vector<16xf32>
    %get3A_335 = arith.constant 14 : i32
    %get3A_336 = arith.index_cast %get3A_335 : i32 to index
    %get3A_337 = arith.constant 0 : index
    %get3A_338 = tpu.vector_load %arg16[%get3A_336, %get3A_337] {strides = array<i32>} : memref<16x16xf32, #tpu.memory_space<vmem>>, vector<16xf32>,
    %add3A_339 = arith.addf %add3A_334, %get3A_338 : vector<16xf32>
    %get3A_340 = arith.constant 14 : i32
    %get3A_341 = arith.index_cast %get3A_340 : i32 to index
    %get3A_342 = arith.constant 0 : index
    %get3A_343 = tpu.vector_load %arg17[%get3A_341, %get3A_342] {strides = array<i32>} : memref<16x16xf32, #tpu.memory_space<vmem>>, vector<16xf32>,
    %add3A_344 = arith.addf %add3A_339, %get3A_343 : vector<16xf32>
    %get3A_345 = arith.constant 15 : i32
    %get3A_346 = arith.index_cast %get3A_345 : i32 to index
    %get3A_347 = arith.constant 0 : index
    %get3A_348 = tpu.vector_load %arg16[%get3A_346, %get3A_347] {strides = array<i32>} : memref<16x16xf32, #tpu.memory_space<vmem>>, vector<16xf32>,
    %add3A_349 = arith.addf %add3A_344, %get3A_348 : vector<16xf32>
    %get3A_350 = arith.constant 15 : i32
    %get3A_351 = arith.index_cast %get3A_350 : i32 to index
    %get3A_352 = arith.constant 0 : index
    %get3A_353 = tpu.vector_load %arg17[%get3A_351, %get3A_352] {strides = array<i32>} : memref<16x16xf32, #tpu.memory_space<vmem>>, vector<16xf32>,
    %add3A_354 = arith.addf %add3A_349, %get3A_353 : vector<16xf32>
    %swap3A_355 = arith.constant 0 : index
    %swap3A_356 = tpu.vector_load %arg18[%swap3A_355] {strides = array<i32>} : memref<16xf32, #tpu.memory_space<vmem>>, vector<16xf32>,
    tpu.vector_store %arg18[%swap3A_355], %add3A_354 {strides = array<i32>} : memref<16xf32, #tpu.memory_space<vmem>>, vector<16xf32>,
    "tpu.region"() ({
      %run_scoped3A = tpu.sem_alloc : memref<!tpu.dma_semaphore, #tpu.memory_space<semaphore_mem>>
      %dma_start3A = arith.constant 0 : i32
      %dma_start3A_357 = tpu.memref_slice %arg7[%add3A, %dma_start3A] : memref<32x16xf32, #tpu.memory_space<hbm>> -> memref<1x16xf32, #tpu.memory_space<hbm>>
      %dma_start3A_358 = tpu.memref_squeeze %dma_start3A_357 : memref<1x16xf32, #tpu.memory_space<hbm>> -> memref<16xf32, #tpu.memory_space<hbm>>
      %dma_start3A_359 = arith.constant 0 : i32
      %dma_start3A_360 = tpu.memref_slice %arg7[%add3A, %dma_start3A_359] : memref<32x16xf32, #tpu.memory_space<hbm>> -> memref<1x16xf32, #tpu.memory_space<hbm>>
      %dma_start3A_361 = tpu.memref_squeeze %dma_start3A_360 : memref<1x16xf32, #tpu.memory_space<hbm>> -> memref<16xf32, #tpu.memory_space<hbm>>
      tpu.enqueue_dma source(%arg18 : memref<16xf32, #tpu.memory_space<vmem>>) target(%dma_start3A_361 : memref<16xf32, #tpu.memory_space<hbm>>) target_semaphore(%run_scoped3A : memref<!tpu.dma_semaphore, #tpu.memory_space<semaphore_mem>>)
      %dma_wait3A = arith.constant 0 : i32
      %dma_wait3A_362 = tpu.memref_slice %arg7[%add3A, %dma_wait3A] : memref<32x16xf32, #tpu.memory_space<hbm>> -> memref<1x16xf32, #tpu.memory_space<hbm>>
      %dma_wait3A_363 = tpu.memref_squeeze %dma_wait3A_362 : memref<1x16xf32, #tpu.memory_space<hbm>> -> memref<16xf32, #tpu.memory_space<hbm>>
      %dma_wait3A_364 = arith.constant 0 : i32
      %dma_wait3A_365 = tpu.memref_slice %arg7[%add3A, %dma_wait3A_364] : memref<32x16xf32, #tpu.memory_space<hbm>> -> memref<1x16xf32, #tpu.memory_space<hbm>>
      %dma_wait3A_366 = tpu.memref_squeeze %dma_wait3A_365 : memref<1x16xf32, #tpu.memory_space<hbm>> -> memref<16xf32, #tpu.memory_space<hbm>>
      tpu.wait_dma2 semaphore(%run_scoped3A : memref<!tpu.dma_semaphore, #tpu.memory_space<semaphore_mem>>) src(%arg18 : memref<16xf32, #tpu.memory_space<vmem>>) dst(%dma_wait3A_366 : memref<16xf32, #tpu.memory_space<hbm>>)
      tpu.yield
    }) : () -> ()
    return
  }
}

</mosaic_0001>

<sc_bundles>
// kernel: kernel.3.cloned.1.call-start
scs
__scs_entry_jumppad:
0x0: {  	(pc) =	sbr.rel $0x88, $3  }
0x1: {  	(tag) =	ssettag $0x0;
	lr =	simm.s32 $0x1  }
0x2: {  	[smem:$0x3F9C] =	sst lr;
	_ =	strace $0xD0000000  }
0x3: {  	_ = 	snop  }
0x4: {  	_ = 	snop  }
0x5: {  	_ = 	snop  }
0x6: {  	_ = 	snop  }
0x7: {  	_ = 	snop  }
__scs_overlays_trampoline_lowered:
0x8: {  	[smem:$0x3FAB] =	sst s0  }
0x9: {  	[smem:$0x3FAC] =	sst s1  }
0xa: {  	[smem:$0x3FAD] =	sst s2  }
0xb: {  	[smem:$0x3FAE] =	sst s3  }
0xc: {  	[smem:$0x3FAF] =	sst s4  }
0xd: {  	[smem:$0x3FB0] =	sst s5  }
0xe: {  	[smem:$0x3FB1] =	sst s6  }
0xf: {  	[smem:$0x3FB2] =	sst s7  }
0x10: {  	[smem:$0x3FB3] =	sst s8  }
0x11: {  	[smem:$0x3FB4] =	sst s9;
	s0 =	simm.s32 @!p0 $0x0  }
0x12: {  	s1 =	sld [smem:$0x3F9A];
	s0 =	simm.s32 @p0 $0x1  }
0x13: {  	[smem:$0x3FB5] =	sst s0;
	s0 =	simm.s32 @!p1 $0x0  }
0x14: {  	s2 =	sld [smem:$0x3F99];
	s0 =	simm.s32 @p1 $0x1  }
0x15: {  	[smem:$0x3FB6] =	sst s0;
	s0 =	simm.s32 @!p2 $0x0  }
0x16: {  	s3 =	sld [smem:$0x3FDB];
	s0 =	simm.s32 @p2 $0x1  }
0x17: {  	s4 =	simm.s32 $0x1BF5;
	[smem:$0x3FB8] =	sst s0  }
0x18: {  	s0 =	sld [smem:$0x3F9B];
	_ =	swait.ge [sflag:s4], $0x0  }
0x19: {  	s7 =	sld [smem:$0x3F9C]  }
0x1a: {  	s8 =	sadd.s32 $0xFFFFE003, lr  }
0x1b: {  	s9 =	sadd.s32 $0xFFFFFEF7, lr;
	s5 =	simm.s32 $0xFFFFFFFF;
	p2 =	slt.u32 s8, $0xFFFFF086  }
0x1c: {  	p1 =	slt.u32 s9, $0xF7A;
	s5 =	simm.s32 @!p2 $0x0  }
0x1d: {  	s5 =	simm.s32 @p1 $0x1;
	p0 =	seq.s32 s7, s2  }
0x1e: {  	s7 =	smul.u32 @!p0 $0xF7A, s2;
	p2 =	seq.s32 @!p0 s5, $0x0  }
0x1f: {  	s9 =	smul.u32 $0xF7A, s1;
	s8 =	simm.s32 @!p0 $0x1BF5;
	p2 =	por !p2, p0  }
0x20: {  	[sflag:s8] =	ssyncset.s32 @!p0 $0xFFFFF086;
	s6 =	sadd.s32 @!p0 s3, s7;
	s7 =	simm.s32 @!p0 $0x108  }
0x21: {  	s3 =	sadd.s32 s3, s9;
	s6 =	sadd.s32 @!p0 $0x88, s6;
	s7 =	simm.s32 @p2 $0x1082  }
0x22: {  	[simem:s7], [sflag:s8] =	dma.local @!p0 [hbm:s6], $0xF7A  }
0x23: {  	s9 =	sor.u32 $0xD0000000, s2;
	s6 =	simm.s32 $0x108;
	_ =	swait.ge @!p0 [sflag:s8], $0x0  }
0x24: {  	s3 =	sadd.s32 $0x88, s3;
	s6 =	simm.s32 @!p1 $0x1082;
	[sflag:s4] =	ssyncset.s32 $0xFFFFF086  }
0x25: {  	[simem:s6], [sflag:s4] =	dma.local [hbm:s3], $0xF7A  }
0x26: {  	[smem:$0x3F9C] =	sst s1;
	(tag) =	ssettag s2;
	_ =	strace s9  }
0x27: {  	s1 =	sld [smem:$0x3FAC]  }
0x28: {  	s2 =	sld [smem:$0x3FAD]  }
0x29: {  	s4 =	sld [smem:$0x3FAF]  }
0x2a: {  	p0 =	seq.s32 s5, $0x0;
	s5 =	sld [smem:$0x3FB0]  }
0x2b: {  	s6 =	sld [smem:$0x3FB1]  }
0x2c: {  	s7 =	sld [smem:$0x3FB2]  }
0x2d: {  	s3 =	simm.s32 $0x108;
	s8 =	sld [smem:$0x3FB3]  }
0x2e: {  	s3 =	simm.s32 @!p0 $0x1082;
	s9 =	sld [smem:$0x3FB4]  }
0x2f: {  	lr =	sadd.s32 s0, s3;
	s0 =	sld [smem:$0x3FAB]  }
0x30: {  	s3 =	sld [smem:$0x3FAE]  }
0x31: {  	[smem:$0x3FB7] =	sst s10  }
0x32: {  	s10 =	sld [smem:$0x3FB5];
	_ =	sdelay $0x3  }
0x33: {  	p0 =	seq.s32 s10, $0x1;
	s10 =	sld [smem:$0x3FB7];
	_ =	sdelay $0x3  }
0x34: {  	[smem:$0x3FB7] =	sst s10  }
0x35: {  	s10 =	sld [smem:$0x3FB6];
	_ =	sdelay $0x3  }
0x36: {  	p1 =	seq.s32 s10, $0x1;
	s10 =	sld [smem:$0x3FB7];
	_ =	sdelay $0x3  }
0x37: {  	[smem:$0x3FB7] =	sst s10  }
0x38: {  	s10 =	sld [smem:$0x3FB8]  }
0x39: {  	_ = 	snop;
	(pc) =	sbr.ind lr, $3  }
0x3a: {  	_ = 	snop  }
0x3b: {  	_ = 	snop  }
0x3c: {  	p2 =	seq.s32 s10, $0x1;
	s10 =	sld [smem:$0x3FB7]  }
0x3d: {  	_ =	shalt  }
0x3e: {  	_ =	shalt  }
0x3f: {  	_ =	shalt  }
0x40: {  	_ =	shalt  }
0x41: {  	_ =	shalt  }
0x42: {  	_ =	shalt  }
0x43: {  	_ =	shalt  }
0x44: {  	_ =	shalt  }
0x45: {  	_ =	shalt  }
0x46: {  	_ =	shalt  }
0x47: {  	_ =	shalt  }
0x48: {  	_ =	shalt  }
0x49: {  	_ =	shalt  }
0x4a: {  	_ =	shalt  }
0x4b: {  	_ =	shalt  }
0x4c: {  	_ =	shalt  }
0x4d: {  	_ =	shalt  }
0x4e: {  	_ =	shalt  }
0x4f: {  	_ =	shalt  }
0x50: {  	_ =	shalt  }
0x51: {  	_ =	shalt  }
0x52: {  	_ =	shalt  }
0x53: {  	_ =	shalt  }
0x54: {  	_ =	shalt  }
0x55: {  	_ =	shalt  }
0x56: {  	_ =	shalt  }
0x57: {  	_ =	shalt  }
0x58: {  	_ =	shalt  }
0x59: {  	_ =	shalt  }
0x5a: {  	_ =	shalt  }
0x5b: {  	_ =	shalt  }
0x5c: {  	_ =	shalt  }
0x5d: {  	_ =	shalt  }
0x5e: {  	_ =	shalt  }
0x5f: {  	_ =	shalt  }
0x60: {  	_ =	shalt  }
0x61: {  	_ =	shalt  }
0x62: {  	_ =	shalt  }
0x63: {  	_ =	shalt  }
0x64: {  	_ =	shalt  }
0x65: {  	_ =	shalt  }
0x66: {  	_ =	shalt  }
0x67: {  	_ =	shalt  }
0x68: {  	_ =	shalt  }
0x69: {  	_ =	shalt  }
0x6a: {  	_ =	shalt  }
0x6b: {  	_ =	shalt  }
0x6c: {  	_ =	shalt  }
0x6d: {  	_ =	shalt  }
0x6e: {  	_ =	shalt  }
0x6f: {  	_ =	shalt  }
0x70: {  	_ =	shalt  }
0x71: {  	_ =	shalt  }
0x72: {  	_ =	shalt  }
0x73: {  	_ =	shalt  }
0x74: {  	_ =	shalt  }
0x75: {  	_ =	shalt  }
0x76: {  	_ =	shalt  }
0x77: {  	_ =	shalt  }
0x78: {  	_ =	shalt  }
0x79: {  	_ =	shalt  }
0x7a: {  	_ =	shalt  }
0x7b: {  	_ =	shalt  }
0x7c: {  	_ =	shalt  }
0x7d: {  	_ =	shalt  }
0x7e: {  	_ =	shalt  }
0x7f: {  	_ =	shalt  }
0x80: {  	_ =	shalt  }
0x81: {  	_ =	shalt  }
0x82: {  	_ =	shalt  }
0x83: {  	_ =	shalt  }
0x84: {  	_ =	shalt  }
0x85: {  	_ =	shalt  }
0x86: {  	_ =	shalt  }
0x87: {  	_ =	shalt  }
.Lfunc_end0:
.L_simem_size_0:
called_computation_lowered:
.L_overlay_start_0:
0x88: {  	s2 =	sld [smem:$0x3FD9]  }
0x89: {  	s3 =	sld [smem:$0x3FFE];
	_ =	sdelay $0x1  }
0x8a: {  	s1 =	srdreg.scid  }
0x8b: {  	s0 =	sand.u32 $0x1, s1  }
0x8c: {  	s17 =	sshll.u32 s0, $0xA;
	s2 =	sadd.s32 s3, s2  }
0x8d: {  	s2 =	sadd.s32 s2, s17  }
0x8e: {  	[smem:$0x3FC3] =	sst s2  }
0x8f: {  	_ = 	snop  }
0x90: {  	s2 =	sld [smem:$0x3FC7]  }
0x91: {  	s18 =	sld [smem:$0x3FC6]  }
0x92: {  	s4 =	sld [smem:$0x3FC5];
	(tm) =	ssettm $0x1  }
0x93: {  	s5 =	sld [smem:$0x3FFB];
	_ =	sdelay $0x3  }
0x94: {  	_ =	strace s5  }
0x95: {  	s5 =	sld [smem:$0x3FFC];
	_ =	sdelay $0x3  }
0x96: {  	_ =	strace s5  }
0x97: {  	s5 =	sld [smem:$0x3FFD];
	_ =	sdelay $0x3  }
0x98: {  	_ =	strace s5  }
0x99: {  	_ =	strace $0x8FFFFFFF  }
0x9a: {  	s19 =	sld [smem:$0x3FDB];
	_ =	sdelay $0x1  }
0x9b: {  	s6 =	simm.s32 $_scs_section_size  }
0x9c: {  	s7 =	simm.s32 $_size__tile_overlayer_lowered;
	s8 =	simm.s32 $_tile_overlayer_lowered  }
0x9d: {  	s22 =	simm.s32 $0x1BFF;
	s21 =	sshll.u32 s8, $0x1;
	s5 =	sadd.s32 s6, s19  }
0x9e: {  	s9 =	simm.s32 $0x0;
	s20 =	sshll.u32 s7, $0x1;
	s7 =	sadd.s32 s21, s5  }
0x9f: {  	[timem:s9], [sflag:s22] =	dma.local [hbm:s7], s20  }
0xa0: {  	_ =	swait.ge [sflag:s22], s20  }
0xa1: {  	s6 =	ssub.s32 $0x0, s20;
	[sflag:s22] =	ssyncset.done $0x0  }
0xa2: {  	[sflag:s22] =	ssyncadd.s32 s6;
	_ =	sdelay $0x1  }
0xa3: {  	s23 =	simm.s32 $0x1B8B  }
0xa4: {  	_ =	swait.ge [sflag:s23], $0x1  }
0xa5: {  	[sflag:s23] =	ssyncset.done $0x0  }
0xa6: {  	s25 =	simm.s32 $0x1B8E;
	s24 =	sld [smem:$0x3FFE];
	[sflag:s23] =	ssyncadd.s32 $0xFFFFFFFF  }
0xa7: {  	s26 =	simm.s32 $execute0_lowered;
	[smem:$0x3FD2] =	sst s25  }
0xa8: {  	s7 =	sshll.u32 s26, $0x1;
	_ =	strace $0x80000046;
	[dreg:$0x1] =	wrdreg $0xFFFFFFFF  }
0xa9: {  	s28 =	simm.s32 $_size_execute0_lowered;
	s5 =	sadd.s32 s5, s7;
	[dreg:$0x0] =	wrdreg $0x0  }
0xaa: {  	s7 =	sshll.u32 s28, $0x1;
	[dreg:$0x2] =	wrdreg s5  }
0xab: {  	[dreg:$0x3] =	wrdreg s7  }
0xac: {  	[dreg:$0x4] =	wrdreg $0xC0  }
0xad: {  	_ =	task [dreg:s9], $0x5FFFF  }
0xae: {  	[dreg:$0x1] =	wrdreg $0xFFFFFFFF  }
0xaf: {  	[dreg:$0x0] =	wrdreg $0x60  }
0xb0: {  	[dreg:$0x2] =	wrdreg s24  }
0xb1: {  	[dreg:$0x3] =	wrdreg s2  }
0xb2: {  	[dreg:$0x4] =	wrdreg s18  }
0xb3: {  	[dreg:$0x5] =	wrdreg s4  }
0xb4: {  	[dreg:$0x6] =	wrdreg $0x9  }
0xb5: {  	_ =	task.clear_ibuf [dreg:s9], $0x7FFFF;
	_ =	strace $0x90000046  }
0xb6: {  	s29 =	simm.s32 $0x9;
	_ =	strace $0x80000048  }
0xb7: {  	_ =	swait.ge [sflag:s29], $0x1  }
0xb8: {  	[sflag:s29] =	ssyncadd.s32 $0xFFFFFFFF  }
0xb9: {  	_ =	strace $0x90000048  }
0xba: {  	_ =	sfence  }
0xbb: {  	s30 =	sld [smem:$0x0];
	_ =	sdelay $0x2  }
0xbc: {  	s31 =	sshll.u32 s1, $0xD;
	s1 =	sshrl.u32 s1, $0x2  }
0xbd: {  	s3 =	sand.u32 $0x4000, s31;
	s1 =	sadd.s32 s1, s30  }
0xbe: {  	s0 =	sor.u32 s3, s0;
	s1 =	sshll.u32 s1, $0x11  }
0xbf: {  	s0 =	sor.u32 s1, s0  }
0xc0: {  	s0 =	sadd.s32 $0x8F2B, s0  }
0xc1: {  	[sflag:s0] =	ssyncadd.remote.s32 $0x1  }
0xc2: {  	_ =	sfence.sel $0xFFFF  }
0xc3: {  	[dreg:$0x0] =	wrdreg $0xFFFFFFFF;
	(pc) =	sbr.abs _section_cstart, $3  }
0xc4: {  	[dreg:$0x1] =	wrdreg $0xFFFFFFFF  }
0xc5: {  	_ =	task.clear_ibuf [dreg:s9], $0x2FFFF;
	_ =	strace $0x9FFFFFFF  }
0xc6: {  	(tm) =	ssettm $0x7FFFFFFF  }
0xc7: {  	_ =	shalt  }
tec
execute0_lowered:
.L_overlay_start_1:
0x0: {  	(tag) =	ssettag $0x1  }
0x1: {  	s5 =	rddreg [dreg:$0x0]  }
0x2: {  	s1 =	rddreg [dreg:$0x1]  }
0x3: {  	s2 =	rddreg [dreg:$0x2];
	s3 =	simm.s32 $0x0;
	v61 =	vlaneseq.u32  }
0x4: {  	[smem:$0x7FF] =	sst s3;
	v60 =	vor.u32 $0x80, v61  }
0x5: {  	s7 =	rddreg [dreg:$0x3];
	v62 =	vor.u32 $0x100, v61;
	_ =	strace $0x80000047;
	[tilespmem:$0x1FEA0] =	vst v60  }
0x6: {  	v38 =	vor.u32 $0x20, v61;
	[tilespmem:$0x1FEB0] =	vst v62  }
0x7: {  	v39 =	vor.u32 $0xA0, v61;
	[tilespmem:$0x1FEC0] =	vst v38  }
0x8: {  	v41 =	vor.u32 $0x150, v61;
	[tilespmem:$0x1FED0] =	vst v39  }
0x9: {  	v40 =	vor.u32 $0x40, v61;
	[tilespmem:$0x1FEE0] =	vst v41  }
0xa: {  	v4 =	vor.u32 $0x60, v61;
	[tilespmem:$0x1FEF0] =	vst v40  }
0xb: {  	v42 =	vor.u32 $0xC0, v61;
	[tilespmem:$0x1FF00] =	vst v4  }
0xc: {  	v43 =	vor.u32 $0xE0, v61;
	[tilespmem:$0x1FF10] =	vst v42  }
0xd: {  	v44 =	vor.u32 $0x120, v61;
	[tilespmem:$0x1FF20] =	vst v43  }
0xe: {  	v45 =	vor.u32 $0x160, v61;
	[tilespmem:$0x1FF30] =	vst v44  }
0xf: {  	v59 =	vor.u32 $0x70, v61;
	[tilespmem:$0x1FF40] =	vst v45  }
0x10: {  	v46 =	vor.u32 $0x140, v61;
	[tilespmem:$0x1FF50] =	vst v59  }
0x11: {  	v0 =	vimm.f32 $9.569595570e-04;
	v49 =	vor.u32 $0xF0, v61;
	[tilespmem:$0x1FF60] =	vst v46  }
0x12: {  	v58 =	vor.u32 $0x170, v61;
	[tilespmem:$0x1FF70] =	vst v49;
	(erf) = vrcp.f32 v0  }
0x13: {  	s4 =	srdreg.scid;
	s12 =	simm.s32 $0x2000;
	s13 =	simm.s32 $0x2400;
	v3 =	vor.u32 $0xB0, v61;
	[tilespmem:$0x1FF80] =	vst v58  }
0x14: {  	s14 =	simm.s32 $0x2410;
	s15 =	simm.s32 $0x2420;
	s16 =	simm.s32 $0x2430;
	v1 =	vor.u32 $0x30, v61;
	[tilespmem:$0x1FF90] =	vst v3  }
0x15: {  	s17 =	simm.s32 $0x2440;
	s18 =	simm.s32 $0x2450;
	s6 =	sand.u32 $0x1, s4;
	v2 =	vor.u32 $0x130, v61;
	[tilespmem:$0x1FFA0] =	vst v1  }
0x16: {  	s19 =	simm.s32 $0x2550;
	s4 =	stileid.u32;
	v57 =	vor.u32 $0x110, v61;
	s8 =	sshll.u32 s6, $0x4;
	[tilespmem:$0x1FFB0] =	vst v2  }
0x17: {  	s20 =	simm.s32 $0x2650;
	v53 =	vor.u32 $0x50, v61;
	s6 =	ssub.s32 $0x2, s6;
	[tilespmem:$0x1FFC0] =	vst v57;
	s8 =	sor.u32 s4, s8;
	v0 =	vmul.u32 $0x10, v61  }
0x18: {  	s21 =	simm.s32 $0x0;
	v51 =	vor.u32 $0xD0, v61;
	[tilespmem:$0x1FFD0] =	vst v53;
	s11 =	sshrl.u32 s6, $0x1;
	s9 =	sshll.u32 s8, $0x9  }
0x19: {  	v47 =	vor.u32 $0x90, v61;
	[tilespmem:$0x1FFE0] =	vst v51;
	s10 =	sshll.u32 s8, $0x1;
	s11 =	ssub.s32 s6, s11;
	s8 =	sshll.u32 s8, $0x7  }
0x1a: {  	[tilespmem:$0x1FFF0] =	vst v47;
	s9 =	sadd.s32 s9, s5;
	s10 =	sadd.s32 s10, s5;
	s7 =	sadd.s32 s7, s8  }
0x1b: {  	[tilespmem:$0x1FE80] =	vst v0;
	s5 =	sadd.s32 $0x200, s9;
	s6 =	sadd.s32 $0x4200, s9;
	s8 =	sadd.s32 $0x8200, s10;
	v0 =	vpop (erf)  }
0x1c: {  	v63 =	vor.u32 $0x10, v61;
	s9 =	smax.u32 s11, $0x1;
	s10 =	simm.s32 $0x1;
	s11 =	simm.s32 $0x1000;
	[tilespmem:$0x1FE90] =	vst v0  }
.LBB2_1:
0x1d: {  	[tilespmem:s3], [sflag:$0x1] =	stream.linear.gather [hbm4b:s5+s3], $0x1000, $0x38;
	[tilespmem:$0x2660] =	vst v63  }
0x1e: {  	_ =	swait.ge [sflag:s10], $0x1000  }
0x1f: {  	[sflag:s10] =	ssyncset.done $0x0  }
0x20: {  	[sflag:s10] =	ssyncadd.s32 $0xFFFFF000  }
0x21: {  	[tilespmem:s11], [sflag:$0x1] =	stream.linear.gather [hbm4b:s6+s3], $0x1000, $0x38;
	[tilespmem:$0x2660] =	vst v63  }
0x22: {  	_ =	swait.ge [sflag:s10], $0x1000  }
0x23: {  	[sflag:s10] =	ssyncset.done $0x0  }
0x24: {  	[sflag:s10] =	ssyncadd.s32 $0xFFFFF000  }
0x25: {  	[tilespmem:s12], [sflag:$0x1] =	stream.linear.gather [hbm4b:s7+s3], $0x400, $0x38;
	[tilespmem:$0x2660] =	vst v63  }
0x26: {  	_ =	swait.ge [sflag:s10], $0x400  }
0x27: {  	[sflag:s10] =	ssyncset.done $0x0  }
0x28: {  	[sflag:s10] =	ssyncadd.s32 $0xFFFFFC00  }
0x29: {  	[tilespmem:s13], [sflag:$0x1] =	stream.linear.gather [hbm4b:s1+s3], $0x10, $0x38;
	[tilespmem:$0x2660] =	vst v63  }
0x2a: {  	_ =	swait.ge [sflag:s10], $0x10  }
0x2b: {  	[sflag:s10] =	ssyncset.done $0x0  }
0x2c: {  	[sflag:s10] =	ssyncadd.s32 $0xFFFFFFF0  }
0x2d: {  	[tilespmem:s14], [sflag:$0x1] =	stream.linear.gather [hbm4b:s2+s3], $0x10, $0x38;
	[tilespmem:$0x2660] =	vst v63  }
0x2e: {  	_ =	swait.ge [sflag:s10], $0x10  }
0x2f: {  	[sflag:s10] =	ssyncset.done $0x0  }
0x30: {  	[sflag:s10] =	ssyncadd.s32 $0xFFFFFFF0  }
0x31: {  	v0 =	vld [tilespmem:$0x2410];
	_ =	sdelay $0x4  }
0x32: {  	v0 =	vmax.f32 v0, $0.0e+00  }
0x33: {  	v0 =	vmin.f32 v0, $1.000000000e+00  }
0x34: {  	v0 =	vmul.f32 $8.999999760e-01, v0;
	_ =	sdelay $0x1  }
0x35: {  	v0 =	vadd.f32 $1.000000010e-01, v0;
	_ =	sdelay $0x1  }
0x36: {  	v0 =	vmul.f32 $1.745329240e-02, v0;
	_ =	sdelay $0x1  }
0x37: {  	v0 =	vmul.f32 v0, v0;
	_ =	sdelay $0x1  }
0x38: {  	(erf) = vrcp.f32 v0;
	_ =	sdelay $0x8  }
0x39: {  	v0 =	vpop (erf)  }
0x3a: {  	v0 =	vmul.f32 $5.000000000e-01, v0;
	_ =	sdelay $0x1  }
0x3b: {  	v55 =	vmov v2;
	v2 =	vsub.f32 $0.0e+00, v0;
	_ =	sdelay $0x1  }
0x3c: {  	v54 =	vmov v1;
	v1 =	vimm.f32 $0.0e+00;
	v2 =	vmul.f32 $3.046096830e-04, v2  }
0x3d: {  	[tilespmem:$0x2450] =	vst v1  }
0x3e: {  	[tilespmem:$0x2550] =	vst v1;
	v2 =	vmul.f32 $1.442695020e+00, v2  }
0x3f: {  	[tilespmem:$0x2460] =	vst v1  }
0x40: {  	[tilespmem:$0x2560] =	vst v1;
	(erf) = vpow2.f32 v2  }
0x41: {  	[tilespmem:$0x2470] =	vst v1  }
0x42: {  	[tilespmem:$0x2570] =	vst v1  }
0x43: {  	[tilespmem:$0x2480] =	vst v1  }
0x44: {  	[tilespmem:$0x2580] =	vst v1;
	(erf) = vrcp.f32 v0  }
0x45: {  	[tilespmem:$0x2490] =	vst v1  }
0x46: {  	[tilespmem:$0x2590] =	vst v1  }
0x47: {  	[tilespmem:$0x24A0] =	vst v1  }
0x48: {  	[tilespmem:$0x25A0] =	vst v1  }
0x49: {  	[tilespmem:$0x24B0] =	vst v1;
	v2 =	vpop (erf)  }
0x4a: {  	[tilespmem:$0x25B0] =	vst v1;
	v2 =	vsub.f32 $1.000000000e+00, v2  }
0x4b: {  	[tilespmem:$0x24C0] =	vst v1  }
0x4c: {  	[tilespmem:$0x25C0] =	vst v1;
	v2 =	vmul.f32 $3.141592740e+00, v2  }
0x4d: {  	v56 =	vmov v3;
	[tilespmem:$0x24D0] =	vst v1;
	v3 =	vpop (erf)  }
0x4e: {  	[tilespmem:$0x25D0] =	vst v1;
	v2 =	vmul.f32 v2, v3  }
0x4f: {  	[tilespmem:$0x24E0] =	vst v1  }
0x50: {  	[tilespmem:$0x25E0] =	vst v1;
	(erf) = vrcp.f32 v2;
	v2 =	vld [tilespmem:$0x2400]  }
0x51: {  	[tilespmem:$0x24F0] =	vst v1  }
0x52: {  	[tilespmem:$0x25F0] =	vst v1;
	v0 =	vadd.f32 v0, v0  }
0x53: {  	[tilespmem:$0x2500] =	vst v1  }
0x54: {  	[tilespmem:$0x2420] =	vst v0;
	v0 =	vld [tilespmem:$0x1FE90]  }
0x55: {  	[tilespmem:$0x2600] =	vst v1;
	v2 =	vmax.f32 v2, $9.999999770e-03  }
0x56: {  	[tilespmem:$0x2510] =	vst v1;
	v2 =	vmin.f32 v2, $9.900000090e-01  }
0x57: {  	[tilespmem:$0x2610] =	vst v1;
	v5 =	vsub.f32 $1.000000000e+00, v2  }
0x58: {  	[tilespmem:$0x2520] =	vst v1  }
0x59: {  	[tilespmem:$0x2620] =	vst v1;
	v0 =	vmul.f32 v5, v0  }
0x5a: {  	s22 =	simm.s32 $0x0;
	[tilespmem:$0x2530] =	vst v1;
	v3 =	vpop (erf)  }
0x5b: {  	v2 =	vmul.f32 v3, v2;
	[tilespmem:$0x2440] =	vst v0;
	v0 =	vor.u32 s22, v4  }
0x5c: {  	[tilespmem:$0x2630] =	vst v1  }
0x5d: {  	[tilespmem:$0x2430] =	vst v2;
	v2 =	vor.u32 s22, v43  }
0x5e: {  	[tilespmem:$0x2540] =	vst v1  }
0x5f: {  	[tilespmem:$0x2640] =	vst v1;
	v3 =	vor.u32 s22, v45  }
0x60: {  	v5 =	vld.idx.msk [tilespmem:v0+s3+$0x0], $0xffff  }
0x61: {  	v0 =	vld.idx.msk [tilespmem:v0+s11+$0x0], $0xffff  }
0x62: {  	v6 =	vld.idx.msk [tilespmem:v2+s3+$0x0], $0xffff  }
0x63: {  	v7 =	vld.idx.msk [tilespmem:v2+s11+$0x0], $0xffff  }
0x64: {  	v23 =	vor.u32 s22, v44;
	v8 =	vld.idx.msk [tilespmem:v3+s3+$0x0], $0xffff  }
0x65: {  	v27 =	vor.u32 s22, v46;
	v3 =	vld.idx.msk [tilespmem:v3+s11+$0x0], $0xffff  }
0x66: {  	v2 =	vor.u32 s22, v61  }
0x67: {  	v10 =	vmul.f32 v5, v5;
	v12 =	vmul.f32 v0, v0  }
0x68: {  	v9 =	vor.u32 s22, v60;
	v11 =	vmul.f32 v6, v6;
	v13 =	vmul.f32 v7, v7  }
0x69: {  	v14 =	vor.u32 s22, v38;
	v36 =	vld.idx.msk [tilespmem:v23+s3+$0x0], $0xffff;
	v16 =	vmul.f32 v8, v8;
	v0 =	vmul.f32 v0, v5  }
0x6a: {  	v5 =	vld.idx.msk [tilespmem:v27+s11+$0x0], $0xffff;
	v10 =	vadd.f32 v11, v10;
	v11 =	vadd.f32 v13, v12;
	v12 =	vmul.f32 v3, v3  }
0x6b: {  	v17 =	vld.idx.msk [tilespmem:v2+s3+$0x0], $0xffff  }
0x6c: {  	v15 =	vor.u32 s22, v39;
	v18 =	vld.idx.msk [tilespmem:v2+s11+$0x0], $0xffff;
	v2 =	vadd.f32 v16, v10;
	v10 =	vadd.f32 v12, v11  }
0x6d: {  	v13 =	vld.idx.msk [tilespmem:v9+s3+$0x0], $0xffff  }
0x6e: {  	v9 =	vld.idx.msk [tilespmem:v9+s11+$0x0], $0xffff;
	v11 =	vor.u32 s22, v40;
	v2 =	vmul.f32 v10, v2  }
0x6f: {  	v12 =	vor.u32 s22, v42;
	v16 =	vld.idx.msk [tilespmem:v14+s3+$0x0], $0xffff  }
0x70: {  	v14 =	vld.idx.msk [tilespmem:v14+s11+$0x0], $0xffff;
	v19 =	vshra.s32 v2, $0x1;
	v20 =	vmul.f32 $5.000000000e-01, v2  }
0x71: {  	v10 =	vld.idx.msk [tilespmem:v15+s3+$0x0], $0xffff;
	v19 =	vsub.s32 $0x5F3759DF, v19  }
0x72: {  	v15 =	vld.idx.msk [tilespmem:v15+s11+$0x0], $0xffff;
	v2 =	vor.u32 s22, v62;
	v22 =	vmul.f32 v19, v20  }
0x73: {  	s23 =	simm.s32 $0x60;
	v21 =	vld.idx.msk [tilespmem:v11+s3+$0x0], $0xffff  }
0x74: {  	v26 =	vor.u32 s23, v61;
	v24 =	vld.idx.msk [tilespmem:v12+s3+$0x0], $0xffff;
	v22 =	vmul.f32 v19, v22  }
0x75: {  	v6 =	vmul.f32 v7, v6;
	v3 =	vmul.f32 v3, v8;
	v11 =	vld.idx.msk [tilespmem:v11+s11+$0x0], $0xffff  }
0x76: {  	v25 =	vmul.f32 v17, v17;
	v29 =	vmul.f32 v18, v18;
	v12 =	vld.idx.msk [tilespmem:v12+s11+$0x0], $0xffff;
	v22 =	vsub.f32 $1.500000000e+00, v22  }
0x77: {  	v28 =	vmul.f32 v13, v13;
	v30 =	vmul.f32 v9, v9;
	v32 =	vld.idx.msk [tilespmem:v2+s3+$0x0], $0xffff  }
0x78: {  	v0 =	vadd.f32 v6, v0;
	v31 =	vmul.f32 v16, v16;
	v34 =	vld.idx.msk [tilespmem:v2+s11+$0x0], $0xffff;
	v19 =	vmul.f32 v19, v22  }
0x79: {  	v35 =	vmul.f32 v14, v14;
	v33 =	vmul.f32 v10, v10;
	v2 =	vld.idx.msk [tilespmem:v26+s12+$0x0], $0xffff  }
0x7a: {  	v23 =	vld.idx.msk [tilespmem:v23+s11+$0x0], $0xffff;
	v0 =	vadd.f32 v3, v0;
	v37 =	vmul.f32 v15, v15;
	v20 =	vmul.f32 v19, v20  }
0x7b: {  	v50 =	vadd.f32 v30, v29;
	v29 =	vmul.f32 v11, v11;
	v52 =	vmul.f32 v12, v12  }
0x7c: {  	v30 =	vld.idx.msk [tilespmem:v27+s3+$0x0], $0xffff;
	v27 =	vadd.f32 v37, v35;
	v48 =	vmul.f32 v21, v21;
	v7 =	vmul.f32 v20, v19  }
0x7d: {  	v22 =	vadd.f32 v28, v25;
	v28 =	vmul.f32 v24, v24;
	v8 =	vadd.f32 v52, v29  }
0x7e: {  	v52 =	vmul.f32 v5, v5;
	v37 =	vmul.f32 v32, v32;
	v6 =	vsub.f32 $1.500000000e+00, v7  }
0x7f: {  	v20 =	vadd.f32 v28, v48;
	v28 =	vmul.f32 v34, v34;
	v48 =	vmul.f32 v23, v23  }
0x80: {  	v31 =	vadd.f32 v33, v31;
	v7 =	vmul.f32 v36, v36;
	v3 =	vmul.f32 v6, v19  }
0x81: {  	v22 =	vadd.f32 v37, v22;
	v6 =	vadd.f32 v28, v50;
	v50 =	vmul.f32 v30, v30;
	v28 =	vld.idx.msk [tilespmem:v2+s15+$0x0], $0xffff  }
0x82: {  	v25 =	vadd.f32 v48, v27;
	v7 =	vadd.f32 v7, v31;
	v0 =	vmul.f32 v3, v0  }
0x83: {  	v8 =	vadd.f32 v52, v8;
	v3 =	vadd.f32 v50, v20;
	v6 =	vmul.f32 v6, v22  }
0x84: {  	v7 =	vmul.f32 v25, v7;
	v0 =	vadd.f32 $-1.000000000e+00, v0  }
0x85: {  	v26 =	vshra.s32 v6, $0x1;
	v3 =	vmul.f32 v8, v3;
	v6 =	vmul.f32 $5.000000000e-01, v6  }
0x86: {  	v8 =	vshra.s32 v7, $0x1;
	v7 =	vmul.f32 $5.000000000e-01, v7;
	v0 =	vmul.f32 v0, v28  }
0x87: {  	v19 =	vsub.s32 $0x5F3759DF, v26;
	v8 =	vsub.s32 $0x5F3759DF, v8;
	v20 =	vshra.s32 v3, $0x1  }
0x88: {  	v3 =	vmul.f32 $5.000000000e-01, v3;
	v22 =	vmul.f32 v19, v6;
	v0 =	vmax.f32 v0, $-8.800000000e+01  }
0x89: {  	v33 =	vmul.f32 v8, v7;
	v20 =	vsub.s32 $0x5F3759DF, v20;
	v0 =	vmul.f32 $1.442695020e+00, v0  }
0x8a: {  	s25 =	simm.s32 $0x0;
	v35 =	vmul.f32 v20, v3;
	v22 =	vmul.f32 v19, v22  }
0x8b: {  	v37 =	vmul.f32 v8, v33;
	(erf) = vpow2.f32 v0;
	v0 =	vor.u32 s25, v61  }
0x8c: {  	s26 =	simm.s32 $0x40;
	v9 =	vmul.f32 v9, v13;
	v22 =	vsub.f32 $1.500000000e+00, v22  }
0x8d: {  	s24 =	simm.s32 $0x20;
	v27 =	vor.u32 s26, v61;
	v26 =	vmul.f32 v20, v35;
	v13 =	vsub.f32 $1.500000000e+00, v37  }
0x8e: {  	v17 =	vmul.f32 v18, v17;
	v48 =	vor.u32 s24, v61;
	v52 =	vmul.f32 v19, v22  }
0x8f: {  	v14 =	vmul.f32 v14, v16;
	v50 =	vsub.f32 $1.500000000e+00, v26;
	v8 =	vmul.f32 v8, v13;
	v13 =	vld.idx.msk [tilespmem:v2+s16+$0x0], $0xffff  }
0x90: {  	v10 =	vmul.f32 v15, v10;
	v15 =	vld.idx.msk [tilespmem:v0+s12+$0x0], $0xffff;
	v0 =	vmul.f32 v52, v6  }
0x91: {  	v16 =	vmul.f32 v20, v50;
	v6 =	vmul.f32 v11, v21;
	v11 =	vld.idx.msk [tilespmem:v2+s17+$0x0], $0xffff  }
0x92: {  	v9 =	vadd.f32 v9, v17;
	v7 =	vmul.f32 v8, v7;
	v20 =	vmul.f32 v0, v52;
	v0 =	vld.idx.msk [tilespmem:v27+s12+$0x0], $0xffff  }
0x93: {  	v10 =	vadd.f32 v10, v14;
	v14 =	vmul.f32 v34, v32;
	v26 =	vld.idx.msk [tilespmem:v48+s12+$0x0], $0xffff;
	v3 =	vmul.f32 v16, v3  }
0x94: {  	v12 =	vmul.f32 v12, v24;
	v7 =	vmul.f32 v7, v8;
	v33 =	vpop (erf)  }
0x95: {  	v9 =	vadd.f32 v14, v9;
	v3 =	vmul.f32 v3, v16;
	v13 =	vmul.f32 v33, v13  }
0x96: {  	v6 =	vadd.f32 v12, v6;
	v12 =	vmul.f32 v23, v36;
	v34 =	vsub.f32 $1.500000000e+00, v20  }
0x97: {  	v5 =	vmul.f32 v5, v30;
	v3 =	vsub.f32 $1.500000000e+00, v3;
	v11 =	vadd.f32 v13, v11  }
0x98: {  	v7 =	vsub.f32 $1.500000000e+00, v7;
	v10 =	vadd.f32 v12, v10;
	v13 =	vmul.f32 v34, v52  }
0x99: {  	v5 =	vadd.f32 v5, v6;
	v3 =	vmul.f32 v3, v16;
	v14 =	vld.idx.msk [tilespmem:v15+s15+$0x0], $0xffff;
	v12 =	vand.u32 $0x7FFFFF, v11  }
0x9a: {  	v7 =	vmul.f32 v7, v8;
	v9 =	vmul.f32 v13, v9;
	v8 =	vor.u32 $0x3F800000, v12;
	v13 =	vld.idx.msk [tilespmem:v0+s15+$0x0], $0xffff  }
0x9b: {  	v3 =	vmul.f32 v3, v5;
	v12 =	vld.idx.msk [tilespmem:v26+s15+$0x0], $0xffff;
	v6 =	vadd.f32 $1.000000000e+00, v8  }
0x9c: {  	v7 =	vmul.f32 v7, v10  }
0x9d: {  	v3 =	vadd.f32 $-1.000000000e+00, v3;
	v9 =	vadd.f32 $-1.000000000e+00, v9;
	(erf) = vrcp.f32 v6  }
0x9e: {  	v5 =	vadd.f32 $-1.000000000e+00, v7  }
0x9f: {  	v6 =	vmul.f32 v9, v14;
	v3 =	vmul.f32 v3, v13  }
0xa0: {  	v5 =	vmul.f32 v5, v12  }
0xa1: {  	v6 =	vmax.f32 v6, $-8.800000000e+01;
	v3 =	vmax.f32 v3, $-8.800000000e+01  }
0xa2: {  	v6 =	vmul.f32 $1.442695020e+00, v6;
	v5 =	vmax.f32 v5, $-8.800000000e+01;
	v3 =	vmul.f32 $1.442695020e+00, v3  }
0xa3: {  	v5 =	vmul.f32 $1.442695020e+00, v5  }
0xa4: {  	(erf) = vpow2.f32 v6  }
0xa5: {  	(erf) = vpow2.f32 v5;
	v5 =	vadd.f32 $-1.000000000e+00, v8  }
0xa6: {  	(erf) = vpow2.f32 v3;
	v3 =	vpop (erf)  }
0xa7: {  	v3 =	vmul.f32 v3, v5  }
0xa8: {  	v9 =	vld.idx.msk [tilespmem:v0+s16+$0x0], $0xffff  }
0xa9: {  	v5 =	vld.idx.msk [tilespmem:v15+s16+$0x0], $0xffff;
	v7 =	vmul.f32 v3, v3  }
0xaa: {  	v8 =	vld.idx.msk [tilespmem:v26+s16+$0x0], $0xffff  }
0xab: {  	v6 =	vld.idx.msk [tilespmem:v15+s17+$0x0], $0xffff;
	v10 =	vmul.f32 $2.222222240e-01, v7  }
0xac: {  	v12 =	vld.idx.msk [tilespmem:v26+s17+$0x0], $0xffff  }
0xad: {  	v13 =	vld.idx.msk [tilespmem:v0+s17+$0x0], $0xffff;
	v14 =	vpop (erf);
	v10 =	vadd.f32 $2.857142980e-01, v10  }
0xae: {  	v5 =	vmul.f32 v14, v5;
	v14 =	vpop (erf)  }
0xaf: {  	v8 =	vmul.f32 v14, v8;
	v14 =	vpop (erf);
	v10 =	vmul.f32 v10, v7  }
0xb0: {  	v5 =	vadd.f32 v5, v6;
	v6 =	vmul.f32 v14, v9  }
0xb1: {  	v8 =	vadd.f32 v8, v12;
	v9 =	vadd.f32 $4.000000060e-01, v10  }
0xb2: {  	v10 =	vand.u32 $0x7FFFFF, v5;
	v6 =	vadd.f32 v6, v13  }
0xb3: {  	v10 =	vor.u32 $0x3F800000, v10;
	v12 =	vand.u32 $0x7FFFFF, v8;
	v9 =	vmul.f32 v9, v7  }
0xb4: {  	v13 =	vadd.f32 $1.000000000e+00, v10;
	v12 =	vor.u32 $0x3F800000, v12;
	v14 =	vand.u32 $0x7FFFFF, v6  }
0xb5: {  	v1 =	vld [tilespmem:$0x1FE80];
	v35 =	vadd.f32 $1.000000000e+00, v12;
	v14 =	vor.u32 $0x3F800000, v14;
	v9 =	vadd.f32 $6.666666860e-01, v9  }
0xb6: {  	v36 =	vadd.f32 $1.000000000e+00, v14;
	(erf) = vrcp.f32 v13  }
0xb7: {  	v11 =	vshra.s32 v11, $0x17;
	(erf) = vrcp.f32 v35;
	v7 =	vmul.f32 v9, v7  }
0xb8: {  	(erf) = vrcp.f32 v36;
	v9 =	vadd.s32 $0xFFFFFF81, v11  }
0xb9: {  	v9 =	vcvt.s32.f32 v9;
	v7 =	vadd.f32 $2.000000000e+00, v7  }
0xba: {  	v2 =	vadd.s32 v1, v2  }
0xbb: {  	v3 =	vmul.f32 v7, v3;
	v7 =	vmul.f32 $6.931471820e-01, v9;
	v9 =	vor.u32 s22, v59  }
0xbc: {  	v11 =	vor.u32 s22, v49  }
0xbd: {  	v3 =	vadd.f32 v3, v7;
	_ =	sdelay $0x1  }
0xbe: {  	v7 =	vadd.f32 $-1.000000000e+00, v10;
	v10 =	vpop (erf);
	[tilespmem:v2+s18+$0x0] =	vst.idx.add.f32.msk $0xffff, v3  }
0xbf: {  	v2 =	vor.u32 s22, v58;
	v3 =	vadd.f32 $-1.000000000e+00, v12;
	v12 =	vadd.f32 $-1.000000000e+00, v14;
	v13 =	vpop (erf);
	v14 =	vld.idx.msk [tilespmem:v9+s3+$0x0], $0xffff  }
0xc0: {  	v7 =	vmul.f32 v10, v7;
	v10 =	vpop (erf);
	v37 =	vld.idx.msk [tilespmem:v11+s3+$0x0], $0xffff  }
0xc1: {  	v19 =	vadd.s32 v1, v26;
	v9 =	vld.idx.msk [tilespmem:v9+s11+$0x0], $0xffff;
	v3 =	vmul.f32 v13, v3;
	v10 =	vmul.f32 v10, v12  }
0xc2: {  	v15 =	vadd.s32 v1, v15;
	v5 =	vshra.s32 v5, $0x17;
	v11 =	vld.idx.msk [tilespmem:v11+s11+$0x0], $0xffff;
	v13 =	vmul.f32 v7, v7  }
0xc3: {  	v5 =	vadd.s32 $0xFFFFFF81, v5;
	v50 =	vmul.f32 v3, v3;
	v20 =	vmul.f32 v10, v10  }
0xc4: {  	v8 =	vshra.s32 v8, $0x17;
	v5 =	vcvt.s32.f32 v5;
	v22 =	vmul.f32 $2.222222240e-01, v13;
	v21 =	vld.idx.msk [tilespmem:v2+s3+$0x0], $0xffff  }
0xc5: {  	v6 =	vshra.s32 v6, $0x17;
	v2 =	vld.idx.msk [tilespmem:v2+s11+$0x0], $0xffff;
	v23 =	vmul.f32 $2.222222240e-01, v50;
	v52 =	vmul.f32 $2.222222240e-01, v20  }
0xc6: {  	v22 =	vadd.f32 $2.857142980e-01, v22;
	v32 =	vmul.f32 v14, v14;
	v33 =	vmul.f32 v37, v37  }
0xc7: {  	v27 =	vmul.f32 v9, v9;
	v28 =	vmul.f32 v11, v11;
	v23 =	vadd.f32 $2.857142980e-01, v23  }
0xc8: {  	v8 =	vadd.s32 $0xFFFFFF81, v8;
	v22 =	vmul.f32 v22, v13;
	v25 =	vadd.f32 v33, v32  }
0xc9: {  	v34 =	vadd.f32 v28, v27;
	v24 =	vadd.f32 $2.857142980e-01, v52;
	v23 =	vmul.f32 v23, v50  }
0xca: {  	v29 =	vmul.f32 v21, v21;
	v27 =	vmul.f32 v2, v2;
	v22 =	vadd.f32 $4.000000060e-01, v22  }
0xcb: {  	v6 =	vadd.s32 $0xFFFFFF81, v6;
	v24 =	vmul.f32 v24, v20;
	v23 =	vadd.f32 $4.000000060e-01, v23  }
0xcc: {  	v25 =	vadd.f32 v29, v25;
	v26 =	vadd.f32 v27, v34;
	v22 =	vmul.f32 v22, v13  }
0xcd: {  	v8 =	vcvt.s32.f32 v8;
	v24 =	vadd.f32 $4.000000060e-01, v24;
	v23 =	vmul.f32 v23, v50  }
0xce: {  	v6 =	vcvt.s32.f32 v6;
	v25 =	vmul.f32 v26, v25;
	v22 =	vadd.f32 $6.666666860e-01, v22  }
0xcf: {  	v5 =	vmul.f32 $6.931471820e-01, v5;
	v24 =	vmul.f32 v24, v20;
	v23 =	vadd.f32 $6.666666860e-01, v23  }
0xd0: {  	v26 =	vshra.s32 v25, $0x1;
	v25 =	vmul.f32 $5.000000000e-01, v25;
	v13 =	vmul.f32 v22, v13  }
0xd1: {  	s28 =	simm.s32 $0x70;
	v26 =	vsub.s32 $0x5F3759DF, v26;
	v18 =	vmul.f32 v23, v50;
	v23 =	vadd.f32 $6.666666860e-01, v24  }
0xd2: {  	v35 =	vor.u32 s28, v61;
	v22 =	vmul.f32 v26, v25;
	v13 =	vadd.f32 $2.000000000e+00, v13  }
0xd3: {  	v8 =	vmul.f32 $6.931471820e-01, v8;
	v18 =	vadd.f32 $2.000000000e+00, v18;
	v20 =	vmul.f32 v23, v20  }
0xd4: {  	v48 =	vor.u32 s22, v47;
	v22 =	vmul.f32 v26, v22;
	v7 =	vmul.f32 v13, v7  }
0xd5: {  	v12 =	vor.u32 s22, v63;
	v3 =	vmul.f32 v18, v3;
	v36 =	vadd.f32 $2.000000000e+00, v20  }
0xd6: {  	v0 =	vadd.s32 v1, v0;
	v13 =	vsub.f32 $1.500000000e+00, v22;
	v5 =	vadd.f32 v7, v5  }
0xd7: {  	v6 =	vmul.f32 $6.931471820e-01, v6;
	v30 =	vld.idx.msk [tilespmem:v35+s12+$0x0], $0xffff;
	v3 =	vadd.f32 v3, v8;
	v8 =	vmul.f32 v36, v10  }
0xd8: {  	v7 =	vmul.f32 v26, v13;
	[tilespmem:v15+s18+$0x0] =	vst.idx.add.f32.msk $0xffff, v5  }
0xd9: {  	[tilespmem:v19+s18+$0x0] =	vst.idx.add.f32.msk $0xffff, v3;
	v3 =	vadd.f32 v8, v6  }
0xda: {  	v10 =	vor.u32 s22, v54;
	v5 =	vmul.f32 v7, v25;
	v8 =	vld.idx.msk [tilespmem:v12+s3+$0x0], $0xffff  }
0xdb: {  	v6 =	vmul.f32 v9, v14;
	v9 =	vmul.f32 v11, v37;
	[tilespmem:v0+s18+$0x0] =	vst.idx.add.f32.msk $0xffff, v3  }
0xdc: {  	v5 =	vmul.f32 v5, v7;
	v0 =	vld.idx.msk [tilespmem:v48+s3+$0x0], $0xffff  }
0xdd: {  	v14 =	vor.u32 s22, v57;
	v3 =	vadd.f32 v9, v6;
	v6 =	vld.idx.msk [tilespmem:v12+s11+$0x0], $0xffff  }
0xde: {  	v2 =	vmul.f32 v2, v21;
	v9 =	vld.idx.msk [tilespmem:v48+s11+$0x0], $0xffff;
	v12 =	vor.u32 s22, v51;
	v5 =	vsub.f32 $1.500000000e+00, v5  }
0xdf: {  	v13 =	vld.idx.msk [tilespmem:v10+s3+$0x0], $0xffff  }
0xe0: {  	v11 =	vor.u32 s22, v56;
	v10 =	vld.idx.msk [tilespmem:v10+s11+$0x0], $0xffff;
	v2 =	vadd.f32 v2, v3;
	v3 =	vmul.f32 v5, v7  }
0xe1: {  	v7 =	vld.idx.msk [tilespmem:v30+s15+$0x0], $0xffff  }
0xe2: {  	s23 =	simm.s32 $0x200;
	v23 =	vld.idx.msk [tilespmem:v14+s3+$0x0], $0xffff;
	v2 =	vmul.f32 v3, v2  }
0xe3: {  	v46 =	vor.u32 s23, v46;
	v5 =	vor.u32 s22, v53;
	v51 =	vld.idx.msk [tilespmem:v12+s3+$0x0], $0xffff  }
0xe4: {  	v31 =	vor.u32 s23, v60;
	v15 =	vmul.f32 v8, v8;
	v12 =	vld.idx.msk [tilespmem:v12+s11+$0x0], $0xffff;
	v2 =	vadd.f32 $-1.000000000e+00, v2  }
0xe5: {  	v34 =	vor.u32 s23, v4;
	v48 =	vmul.f32 v0, v0;
	v50 =	vmul.f32 v6, v6;
	v3 =	vld.idx.msk [tilespmem:v11+s3+$0x0], $0xffff  }
0xe6: {  	v20 =	vmul.f32 v6, v8;
	v11 =	vld.idx.msk [tilespmem:v11+s11+$0x0], $0xffff;
	v2 =	vmul.f32 v2, v7;
	v7 =	vor.u32 s22, v55  }
0xe7: {  	v24 =	vor.u32 s23, v61;
	v21 =	vmul.f32 v13, v13;
	v8 =	vmul.f32 v10, v13;
	v13 =	vld.idx.msk [tilespmem:v14+s11+$0x0], $0xffff  }
0xe8: {  	v22 =	vor.u32 s22, v41;
	v6 =	vmul.f32 v9, v9;
	v9 =	vmul.f32 v9, v0;
	v37 =	vld.idx.msk [tilespmem:v5+s3+$0x0], $0xffff  }
0xe9: {  	v10 =	vmul.f32 v10, v10;
	v5 =	vld.idx.msk [tilespmem:v5+s11+$0x0], $0xffff;
	v55 =	vmul.f32 v23, v23;
	v2 =	vmax.f32 v2, $-8.800000000e+01  }
0xea: {  	v6 =	vadd.f32 v6, v50;
	v0 =	vmul.f32 v3, v3;
	v2 =	vmul.f32 $1.442695020e+00, v2  }
0xeb: {  	v9 =	vadd.f32 v9, v20;
	v14 =	vmul.f32 v11, v3;
	v3 =	vmul.f32 v11, v11;
	v11 =	vld.idx.msk [tilespmem:v7+s3+$0x0], $0xffff  }
0xec: {  	v28 =	vmul.f32 v12, v51;
	v52 =	vadd.f32 v0, v21;
	(erf) = vpow2.f32 v2;
	v7 =	vld.idx.msk [tilespmem:v7+s11+$0x0], $0xffff  }
0xed: {  	v0 =	vmul.f32 v51, v51;
	v21 =	vld.idx.msk [tilespmem:v22+s3+$0x0], $0xffff;
	v2 =	vadd.f32 v48, v15;
	v15 =	vmul.f32 v37, v37  }
0xee: {  	v17 =	vld.idx.msk [tilespmem:v34+s11+$0x0], $0xffff;
	v56 =	vmul.f32 v13, v13;
	v10 =	vadd.f32 v3, v10;
	v54 =	vmul.f32 v5, v5  }
0xef: {  	v15 =	vadd.f32 v0, v15;
	v0 =	vmul.f32 v13, v23;
	v23 =	vor.u32 s23, v43  }
0xf0: {  	v32 =	vld.idx.msk [tilespmem:v30+s16+$0x0], $0xffff;
	v6 =	vadd.f32 v56, v6;
	v3 =	vmul.f32 v5, v37;
	v5 =	vmul.f32 v12, v12  }
0xf1: {  	v22 =	vld.idx.msk [tilespmem:v22+s11+$0x0], $0xffff;
	v8 =	vadd.f32 v14, v8;
	v13 =	vmul.f32 v11, v11;
	v35 =	vmul.f32 v7, v7  }
0xf2: {  	v12 =	vadd.f32 v55, v2;
	v2 =	vmul.f32 v7, v11;
	v11 =	vmul.f32 v21, v21  }
0xf3: {  	v33 =	vld.idx.msk [tilespmem:v30+s17+$0x0], $0xffff;
	v48 =	vmul.f32 v17, v17;
	v7 =	vadd.f32 v13, v52;
	v10 =	vadd.f32 v35, v10  }
0xf4: {  	v5 =	vadd.f32 v5, v54;
	v6 =	vmul.f32 v6, v12;
	v11 =	vadd.f32 v11, v15;
	v19 =	vld.idx.msk [tilespmem:v23+s11+$0x0], $0xffff  }
0xf5: {  	v15 =	vor.u32 s23, v45;
	v52 =	vor.u32 s23, v39;
	v39 =	vld.idx.msk [tilespmem:v31+s3+$0x0], $0xffff;
	v13 =	vpop (erf);
	v7 =	vmul.f32 v10, v7  }
0xf6: {  	v36 =	vshra.s32 v6, $0x1;
	v12 =	vmul.f32 v13, v32;
	v13 =	vmul.f32 v22, v22  }
0xf7: {  	v6 =	vmul.f32 $5.000000000e-01, v6;
	v37 =	vshra.s32 v7, $0x1;
	v29 =	vmul.f32 $5.000000000e-01, v7  }
0xf8: {  	v27 =	vadd.f32 v12, v33;
	v5 =	vadd.f32 v13, v5;
	v12 =	vsub.s32 $0x5F3759DF, v36;
	v13 =	vld.idx.msk [tilespmem:v23+s3+$0x0], $0xffff  }
0xf9: {  	v10 =	vld.idx.msk [tilespmem:v34+s3+$0x0], $0xffff;
	v16 =	vsub.s32 $0x5F3759DF, v37;
	v33 =	vor.u32 s23, v38;
	v50 =	vmul.f32 v19, v19  }
0xfa: {  	v25 =	vld.idx.msk [tilespmem:v15+s3+$0x0], $0xffff;
	v36 =	vmul.f32 v39, v39;
	v43 =	vmul.f32 v16, v29;
	v7 =	vand.u32 $0x7FFFFF, v27  }
0xfb: {  	v15 =	vld.idx.msk [tilespmem:v15+s11+$0x0], $0xffff;
	v5 =	vmul.f32 v5, v11;
	v11 =	vmul.f32 v12, v6;
	v18 =	vor.u32 $0x3F800000, v7  }
0xfc: {  	v38 =	vld.idx.msk [tilespmem:v24+s3+$0x0], $0xffff;
	v54 =	vadd.f32 v50, v48;
	v26 =	vmul.f32 v16, v43;
	v23 =	vadd.f32 $1.000000000e+00, v18  }
0xfd: {  	v50 =	vor.u32 s23, v42;
	v7 =	vmul.f32 $5.000000000e-01, v5;
	v45 =	vmul.f32 v13, v13  }
0xfe: {  	v5 =	vshra.s32 v5, $0x1;
	(erf) = vrcp.f32 v23;
	v23 =	vmul.f32 v10, v10  }
0xff: {  	v4 =	vmovc v41;
	v11 =	vmul.f32 v12, v11;
	v18 =	vadd.f32 $-1.000000000e+00, v18;
	v51 =	vsub.s32 $0x5F3759DF, v5  }
0x100: {  	v41 =	vld.idx.msk [tilespmem:v31+s11+$0x0], $0xffff;
	v5 =	vmul.f32 v25, v25;
	v55 =	vmul.f32 v15, v15;
	v23 =	vadd.f32 v45, v23  }
0x101: {  	v24 =	vld.idx.msk [tilespmem:v24+s11+$0x0], $0xffff;
	v20 =	vmul.f32 v38, v38;
	v56 =	vmul.f32 v51, v7;
	v11 =	vsub.f32 $1.500000000e+00, v11  }
0x102: {  	v32 =	vld.idx.msk [tilespmem:v52+s11+$0x0], $0xffff;
	v13 =	vmul.f32 v19, v13;
	v31 =	vadd.f32 v55, v54;
	v23 =	vadd.f32 v5, v23  }
0x103: {  	v43 =	vld.idx.msk [tilespmem:v33+s3+$0x0], $0xffff;
	v10 =	vmul.f32 v17, v10;
	v45 =	vor.u32 s23, v40;
	v48 =	vmul.f32 v51, v56  }
0x104: {  	v17 =	vld.idx.msk [tilespmem:v46+s3+$0x0], $0xffff;
	v35 =	vmul.f32 v12, v11;
	v12 =	vor.u32 s23, v62;
	v23 =	vmul.f32 v31, v23  }
0x105: {  	v42 =	vld.idx.msk [tilespmem:v50+s11+$0x0], $0xffff;
	v5 =	vmul.f32 v22, v21;
	v21 =	vsub.f32 $1.500000000e+00, v26;
	v11 =	vsub.f32 $1.500000000e+00, v48  }
0x106: {  	v15 =	vmul.f32 v15, v25;
	v22 =	vld.idx.msk [tilespmem:v52+s3+$0x0], $0xffff;
	v31 =	vshra.s32 v23, $0x1;
	v37 =	vmul.f32 $5.000000000e-01, v23  }
0x107: {  	v55 =	vmovc v47;
	v47 =	vmul.f32 v41, v41;
	v26 =	vld.idx.msk [tilespmem:v33+s11+$0x0], $0xffff;
	v34 =	vmul.f32 v16, v21;
	v21 =	vsub.s32 $0x5F3759DF, v31  }
0x108: {  	v33 =	vmul.f32 v51, v11;
	v16 =	vld.idx.msk [tilespmem:v45+s3+$0x0], $0xffff;
	v31 =	vor.u32 s23, v44;
	v51 =	vmul.f32 v21, v37  }
0x109: {  	s29 =	simm.s32 $0xE0;
	v9 =	vadd.f32 v0, v9;
	v48 =	vmul.f32 v43, v43;
	v6 =	vmul.f32 v35, v6;
	v40 =	vld.idx.msk [tilespmem:v45+s11+$0x0], $0xffff;
	v11 =	vpop (erf)  }
0x10a: {  	v54 =	vmovc v49;
	v45 =	vor.u32 s29, v61;
	v49 =	vld.idx.msk [tilespmem:v12+s3+$0x0], $0xffff;
	v23 =	vmul.f32 v11, v18;
	v18 =	vmul.f32 v21, v51  }
0x10b: {  	v8 =	vadd.f32 v2, v8;
	v52 =	vmul.f32 v32, v32;
	v6 =	vmul.f32 v6, v35;
	v12 =	vld.idx.msk [tilespmem:v12+s11+$0x0], $0xffff  }
0x10c: {  	v0 =	vmul.f32 v34, v29;
	v2 =	vmul.f32 v33, v7;
	v11 =	vld.idx.msk [tilespmem:v50+s3+$0x0], $0xffff;
	v18 =	vsub.f32 $1.500000000e+00, v18  }
0x10d: {  	v20 =	vadd.f32 v36, v20;
	v44 =	vmul.f32 v24, v24;
	v50 =	vmul.f32 v22, v22;
	v14 =	vld.idx.msk [tilespmem:v31+s3+$0x0], $0xffff  }
0x10e: {  	v56 =	vmov v53;
	v51 =	vmul.f32 v26, v26;
	v36 =	vld.idx.msk [tilespmem:v31+s11+$0x0], $0xffff;
	v18 =	vmul.f32 v21, v18  }
0x10f: {  	v44 =	vadd.f32 v47, v44;
	v53 =	vmul.f32 v16, v16;
	v47 =	vmul.f32 v40, v40;
	v31 =	vld.idx.msk [tilespmem:v45+s12+$0x0], $0xffff  }
0x110: {  	v46 =	vld.idx.msk [tilespmem:v46+s11+$0x0], $0xffff;
	v26 =	vmul.f32 v26, v43;
	v45 =	vadd.f32 v50, v48;
	v37 =	vmul.f32 v18, v37  }
0x111: {  	v48 =	vmul.f32 v42, v42;
	v50 =	vadd.f32 v52, v51;
	v52 =	vmul.f32 v49, v49  }
0x112: {  	v10 =	vadd.f32 v13, v10;
	v21 =	vmul.f32 v11, v11;
	v37 =	vmul.f32 v37, v18  }
0x113: {  	v47 =	vadd.f32 v48, v47;
	v19 =	vadd.f32 v52, v20;
	v20 =	vmul.f32 v12, v12  }
0x114: {  	v52 =	vmul.f32 v17, v17;
	v21 =	vadd.f32 v21, v53;
	v48 =	vsub.f32 $1.500000000e+00, v37  }
0x115: {  	v20 =	vadd.f32 v20, v44;
	v53 =	vmul.f32 v46, v46;
	v13 =	vmul.f32 v14, v14  }
0x116: {  	v10 =	vadd.f32 v15, v10;
	v51 =	vmul.f32 v36, v36;
	v15 =	vmul.f32 v48, v18  }
0x117: {  	v19 =	vmul.f32 v20, v19;
	v21 =	vadd.f32 v52, v21;
	v52 =	vmul.f32 v41, v39;
	v20 =	vld.idx.msk [tilespmem:v31+s15+$0x0], $0xffff  }
0x118: {  	s30 =	simm.s32 $0x80;
	v13 =	vadd.f32 v13, v45;
	v48 =	vadd.f32 v51, v50;
	v10 =	vmul.f32 v15, v10  }
0x119: {  	v41 =	vor.u32 s30, v61;
	v18 =	vadd.f32 v53, v47;
	v50 =	vshra.s32 v19, $0x1  }
0x11a: {  	v19 =	vmul.f32 $5.000000000e-01, v19;
	v13 =	vmul.f32 v48, v13;
	v10 =	vadd.f32 $-1.000000000e+00, v10  }
0x11b: {  	v15 =	vmul.f32 v24, v38;
	v18 =	vmul.f32 v18, v21;
	v24 =	vsub.s32 $0x5F3759DF, v50  }
0x11c: {  	v21 =	vshra.s32 v13, $0x1;
	v13 =	vmul.f32 $5.000000000e-01, v13;
	v10 =	vmul.f32 v10, v20  }
0x11d: {  	v51 =	vshra.s32 v18, $0x1;
	v21 =	vsub.s32 $0x5F3759DF, v21;
	v20 =	vmul.f32 v24, v19  }
0x11e: {  	v18 =	vmul.f32 $5.000000000e-01, v18;
	v53 =	vmul.f32 v21, v13;
	v10 =	vmax.f32 v10, $-8.800000000e+01  }
0x11f: {  	v25 =	vsub.s32 $0x5F3759DF, v51;
	v20 =	vmul.f32 v24, v20;
	v10 =	vmul.f32 $1.442695020e+00, v10  }
0x120: {  	s31 =	simm.s32 $0xA0;
	v39 =	vadd.f32 v28, v3;
	v3 =	vmul.f32 v25, v18;
	v28 =	vmul.f32 v21, v53  }
0x121: {  	s0 =	simm.s32 $0xC0;
	v20 =	vsub.f32 $1.500000000e+00, v20;
	(erf) = vpow2.f32 v10;
	v10 =	vor.u32 s31, v61  }
0x122: {  	s26 =	simm.s32 $0x30;
	v44 =	vor.u32 s0, v61;
	v3 =	vmul.f32 v25, v3;
	v43 =	vsub.f32 $1.500000000e+00, v28  }
0x123: {  	v29 =	vor.u32 s26, v61;
	v22 =	vmul.f32 v32, v22;
	v20 =	vmul.f32 v24, v20  }
0x124: {  	v16 =	vmul.f32 v40, v16;
	v32 =	vld.idx.msk [tilespmem:v41+s12+$0x0], $0xffff;
	v3 =	vsub.f32 $1.500000000e+00, v3;
	v21 =	vmul.f32 v21, v43  }
0x125: {  	v6 =	vsub.f32 $1.500000000e+00, v6;
	v11 =	vmul.f32 v42, v11;
	v19 =	vmul.f32 v20, v19  }
0x126: {  	s25 =	simm.s32 $0x10;
	v22 =	vadd.f32 v22, v26;
	v7 =	vmul.f32 v25, v3;
	v3 =	vld.idx.msk [tilespmem:v10+s12+$0x0], $0xffff;
	v10 =	vmul.f32 v21, v13  }
0x127: {  	v45 =	vor.u32 s25, v61;
	v47 =	vmul.f32 v0, v34;
	v0 =	vld.idx.msk [tilespmem:v44+s12+$0x0], $0xffff;
	v48 =	vmul.f32 v19, v20  }
0x128: {  	v51 =	vld.idx.msk [tilespmem:v31+s16+$0x0], $0xffff;
	v13 =	vadd.f32 v52, v15;
	v15 =	vmul.f32 v7, v18;
	v10 =	vmul.f32 v10, v21  }
0x129: {  	v12 =	vmul.f32 v12, v49;
	v17 =	vmul.f32 v46, v17;
	v18 =	vsub.f32 $1.500000000e+00, v48  }
0x12a: {  	v14 =	vmul.f32 v36, v14;
	v15 =	vmul.f32 v15, v7;
	v10 =	vsub.f32 $1.500000000e+00, v10  }
0x12b: {  	v11 =	vadd.f32 v11, v16;
	v52 =	vld.idx.msk [tilespmem:v31+s17+$0x0], $0xffff;
	v12 =	vadd.f32 v12, v13;
	v13 =	vmul.f32 v18, v20  }
0x12c: {  	s28 =	simm.s32 $0x50;
	v14 =	vadd.f32 v14, v22;
	v53 =	vld.idx.msk [tilespmem:v32+s15+$0x0], $0xffff;
	v15 =	vsub.f32 $1.500000000e+00, v15;
	v20 =	vpop (erf);
	v10 =	vmul.f32 v10, v21  }
0x12d: {  	v50 =	vor.u32 s28, v61;
	v28 =	vld.idx.msk [tilespmem:v45+s12+$0x0], $0xffff;
	v12 =	vmul.f32 v13, v12;
	v13 =	vmul.f32 v20, v51  }
0x12e: {  	v20 =	vmul.f32 v2, v33;
	v2 =	vmul.f32 v15, v7;
	v7 =	vadd.f32 v17, v11;
	v21 =	vld.idx.msk [tilespmem:v3+s15+$0x0], $0xffff  }
0x12f: {  	v6 =	vmul.f32 v6, v35;
	v35 =	vsub.f32 $1.500000000e+00, v47;
	v11 =	vld.idx.msk [tilespmem:v0+s15+$0x0], $0xffff;
	v10 =	vmul.f32 v10, v14  }
0x130: {  	v29 =	vld.idx.msk [tilespmem:v29+s12+$0x0], $0xffff;
	v12 =	vadd.f32 $-1.000000000e+00, v12;
	v13 =	vadd.f32 v13, v52;
	v7 =	vmul.f32 v2, v7  }
0x131: {  	v6 =	vmul.f32 v6, v9;
	v36 =	vmul.f32 v35, v34;
	v10 =	vadd.f32 $-1.000000000e+00, v10  }
0x132: {  	v2 =	vld.idx.msk [tilespmem:v50+s12+$0x0], $0xffff;
	v12 =	vmul.f32 v12, v53;
	v15 =	vand.u32 $0x7FFFFF, v13;
	v7 =	vadd.f32 $-1.000000000e+00, v7  }
0x133: {  	v14 =	vmul.f32 v23, v23;
	v15 =	vor.u32 $0x3F800000, v15;
	v10 =	vmul.f32 v10, v21  }
0x134: {  	v12 =	vmax.f32 v12, $-8.800000000e+01;
	v26 =	vadd.f32 $1.000000000e+00, v15;
	v7 =	vmul.f32 v7, v11  }
0x135: {  	v9 =	vld.idx.msk [tilespmem:v28+s15+$0x0], $0xffff;
	v11 =	vmul.f32 $1.442695020e+00, v12;
	v12 =	vmul.f32 $2.222222240e-01, v14;
	v10 =	vmax.f32 v10, $-8.800000000e+01  }
0x136: {  	v27 =	vshra.s32 v27, $0x17;
	(erf) = vrcp.f32 v26;
	v10 =	vmul.f32 $1.442695020e+00, v10  }
0x137: {  	v7 =	vmax.f32 v7, $-8.800000000e+01;
	(erf) = vpow2.f32 v11;
	v11 =	vsub.f32 $1.500000000e+00, v20  }
0x138: {  	v6 =	vadd.f32 $-1.000000000e+00, v6;
	v7 =	vmul.f32 $1.442695020e+00, v7;
	(erf) = vpow2.f32 v10;
	v10 =	vld.idx.msk [tilespmem:v29+s15+$0x0], $0xffff  }
0x139: {  	v5 =	vadd.f32 v5, v39;
	v8 =	vmul.f32 v36, v8;
	v11 =	vmul.f32 v11, v33  }
0x13a: {  	v6 =	vmul.f32 v6, v9;
	v12 =	vadd.f32 $2.857142980e-01, v12;
	(erf) = vpow2.f32 v7;
	v7 =	vld.idx.msk [tilespmem:v2+s15+$0x0], $0xffff  }
0x13b: {  	v27 =	vadd.s32 $0xFFFFFF81, v27;
	v8 =	vadd.f32 $-1.000000000e+00, v8;
	v5 =	vmul.f32 v11, v5  }
0x13c: {  	v37 =	vld.idx.msk [tilespmem:v32+s16+$0x0], $0xffff;
	v6 =	vmax.f32 v6, $-8.800000000e+01;
	v9 =	vadd.f32 $-1.000000000e+00, v15;
	v12 =	vmul.f32 v12, v14  }
0x13d: {  	v38 =	vld.idx.msk [tilespmem:v3+s16+$0x0], $0xffff;
	v6 =	vmul.f32 $1.442695020e+00, v6;
	v5 =	vadd.f32 $-1.000000000e+00, v5;
	v8 =	vmul.f32 v8, v10  }
0x13e: {  	v27 =	vcvt.s32.f32 v27;
	v35 =	vor.u32 s23, v63;
	v11 =	vadd.f32 $4.000000060e-01, v12;
	v12 =	vld.idx.msk [tilespmem:v32+s17+$0x0], $0xffff  }
0x13f: {  	v15 =	vld.idx.msk [tilespmem:v0+s16+$0x0], $0xffff;
	(erf) = vpow2.f32 v6;
	v10 =	vpop (erf);
	v5 =	vmul.f32 v5, v7;
	v8 =	vmax.f32 v8, $-8.800000000e+01  }
0x140: {  	v36 =	vadd.s32 v1, v28;
	v39 =	vld.idx.msk [tilespmem:v3+s17+$0x0], $0xffff;
	v11 =	vmul.f32 v11, v14;
	v7 =	vmul.f32 v10, v9;
	v9 =	vpop (erf)  }
0x141: {  	v10 =	vld.idx.msk [tilespmem:v0+s17+$0x0], $0xffff;
	v9 =	vmul.f32 v9, v37;
	v40 =	vmul.f32 $1.442695020e+00, v8;
	v5 =	vmax.f32 v5, $-8.800000000e+01  }
0x142: {  	v3 =	vadd.s32 v1, v3;
	v41 =	vmul.f32 v7, v7;
	v5 =	vmul.f32 $1.442695020e+00, v5;
	v8 =	vpop (erf)  }
0x143: {  	(erf) = vpow2.f32 v40;
	v17 =	vmul.f32 v8, v38;
	v20 =	vpop (erf);
	v8 =	vadd.f32 v9, v12  }
0x144: {  	v9 =	vadd.f32 $6.666666860e-01, v11;
	v12 =	vmul.f32 $2.222222240e-01, v41;
	v11 =	vmul.f32 v20, v15  }
0x145: {  	(erf) = vpow2.f32 v5;
	v15 =	vadd.f32 v17, v39;
	v42 =	vand.u32 $0x7FFFFF, v8  }
0x146: {  	v6 =	vadd.f32 v11, v10;
	v10 =	vor.u32 $0x3F800000, v42;
	v11 =	vadd.f32 $2.857142980e-01, v12  }
0x147: {  	v9 =	vmul.f32 v9, v14;
	v12 =	vand.u32 $0x7FFFFF, v15;
	v43 =	vadd.f32 $1.000000000e+00, v10  }
0x148: {  	v12 =	vor.u32 $0x3F800000, v12;
	v44 =	vand.u32 $0x7FFFFF, v6;
	v11 =	vmul.f32 v11, v41  }
0x149: {  	v46 =	vld.idx.msk [tilespmem:v2+s16+$0x0], $0xffff;
	v5 =	vadd.f32 $1.000000000e+00, v12;
	v17 =	vor.u32 $0x3F800000, v44;
	(erf) = vrcp.f32 v43  }
0x14a: {  	v50 =	vld.idx.msk [tilespmem:v2+s17+$0x0], $0xffff;
	v32 =	vadd.s32 v1, v32;
	v45 =	vadd.f32 $1.000000000e+00, v17;
	v11 =	vadd.f32 $4.000000060e-01, v11  }
0x14b: {  	v2 =	vadd.s32 v1, v2;
	v9 =	vadd.f32 $2.000000000e+00, v9;
	(erf) = vrcp.f32 v5;
	v5 =	vld.idx.msk [tilespmem:v28+s16+$0x0], $0xffff  }
0x14c: {  	v8 =	vshra.s32 v8, $0x17;
	(erf) = vrcp.f32 v45;
	v11 =	vmul.f32 v11, v41  }
0x14d: {  	v8 =	vadd.s32 $0xFFFFFF81, v8;
	v10 =	vadd.f32 $-1.000000000e+00, v10;
	v15 =	vshra.s32 v15, $0x17  }
0x14e: {  	v8 =	vcvt.s32.f32 v8;
	v15 =	vadd.s32 $0xFFFFFF81, v15;
	v11 =	vadd.f32 $6.666666860e-01, v11  }
0x14f: {  	v6 =	vshra.s32 v6, $0x17;
	v33 =	vmul.f32 v9, v23;
	v12 =	vadd.f32 $-1.000000000e+00, v12;
	v9 =	vpop (erf)  }
0x150: {  	v14 =	vld.idx.msk [tilespmem:v29+s16+$0x0], $0xffff;
	v47 =	vpop (erf);
	v11 =	vmul.f32 v11, v41;
	v5 =	vmul.f32 v9, v5;
	v9 =	vshra.s32 v13, $0x17  }
0x151: {  	v15 =	vcvt.s32.f32 v15;
	v8 =	vmul.f32 $6.931471820e-01, v8;
	v48 =	vpop (erf);
	v9 =	vadd.s32 $0xFFFFFF81, v9  }
0x152: {  	v49 =	vld.idx.msk [tilespmem:v29+s17+$0x0], $0xffff;
	v6 =	vadd.s32 $0xFFFFFF81, v6;
	v11 =	vadd.f32 $2.000000000e+00, v11;
	v9 =	vcvt.s32.f32 v9;
	v20 =	vpop (erf)  }
0x153: {  	v17 =	vadd.f32 $-1.000000000e+00, v17;
	v10 =	vmul.f32 v20, v10;
	v20 =	vadd.s32 v1, v31  }
0x154: {  	v13 =	vld.idx.msk [tilespmem:v28+s17+$0x0], $0xffff;
	v21 =	vpop (erf);
	v7 =	vmul.f32 v11, v7;
	v9 =	vmul.f32 $6.931471820e-01, v9;
	v11 =	vor.u32 s23, v59  }
0x155: {  	v14 =	vmul.f32 v47, v14;
	v22 =	vpop (erf);
	v12 =	vmul.f32 v21, v12;
	v21 =	vor.u32 s23, v54  }
0x156: {  	v17 =	vmul.f32 v22, v17;
	v22 =	vmul.f32 v10, v10;
	v7 =	vadd.f32 v7, v9  }
0x157: {  	v6 =	vcvt.s32.f32 v6;
	v15 =	vmul.f32 $6.931471820e-01, v15;
	v23 =	vadd.f32 v14, v49  }
0x158: {  	v9 =	vmul.f32 v12, v12;
	v14 =	vmul.f32 $2.222222240e-01, v22;
	[tilespmem:v20+s18+$0x0] =	vst.idx.add.f32.msk $0xffff, v7;
	v7 =	vor.u32 s23, v58  }
0x159: {  	v16 =	vmul.f32 v48, v46;
	v5 =	vadd.f32 v5, v13;
	v13 =	vmul.f32 v17, v17;
	v20 =	vld.idx.msk [tilespmem:v11+s3+$0x0], $0xffff  }
0x15a: {  	v54 =	vand.u32 $0x7FFFFF, v23;
	v52 =	vmul.f32 $2.222222240e-01, v9;
	v11 =	vld.idx.msk [tilespmem:v11+s11+$0x0], $0xffff;
	v14 =	vadd.f32 $2.857142980e-01, v14  }
0x15b: {  	v31 =	vadd.f32 v16, v50;
	v24 =	vor.u32 $0x3F800000, v54;
	v53 =	vmul.f32 $2.222222240e-01, v13;
	v25 =	vld.idx.msk [tilespmem:v21+s3+$0x0], $0xffff  }
0x15c: {  	v51 =	vand.u32 $0x7FFFFF, v5;
	v21 =	vld.idx.msk [tilespmem:v21+s11+$0x0], $0xffff;
	v18 =	vadd.f32 $2.857142980e-01, v52;
	v14 =	vmul.f32 v14, v22  }
0x15d: {  	v45 =	vadd.f32 $1.000000000e+00, v24;
	v16 =	vor.u32 $0x3F800000, v51;
	v19 =	vadd.f32 $2.857142980e-01, v53;
	v42 =	vld.idx.msk [tilespmem:v7+s3+$0x0], $0xffff  }
0x15e: {  	v58 =	vand.u32 $0x7FFFFF, v31;
	v18 =	vmul.f32 v18, v9;
	v34 =	vld.idx.msk [tilespmem:v7+s11+$0x0], $0xffff;
	v14 =	vadd.f32 $4.000000060e-01, v14  }
0x15f: {  	v59 =	vadd.f32 $1.000000000e+00, v16;
	v47 =	vmul.f32 v20, v20;
	v19 =	vmul.f32 v19, v13  }
0x160: {  	v48 =	vmul.f32 v25, v25;
	v7 =	vmul.f32 v14, v22;
	v14 =	vadd.f32 $4.000000060e-01, v18  }
0x161: {  	v26 =	vor.u32 $0x3F800000, v58;
	v49 =	vmul.f32 v11, v11;
	v50 =	vmul.f32 v21, v21  }
0x162: {  	v19 =	vadd.f32 $4.000000060e-01, v19;
	v18 =	vadd.f32 v48, v47;
	v14 =	vmul.f32 v14, v9  }
0x163: {  	v38 =	vadd.f32 v50, v49;
	v51 =	vmul.f32 v42, v42;
	v52 =	vmul.f32 v34, v34  }
0x164: {  	(erf) = vrcp.f32 v59;
	v7 =	vadd.f32 $6.666666860e-01, v7;
	v14 =	vadd.f32 $6.666666860e-01, v14  }
0x165: {  	(erf) = vrcp.f32 v45;
	v18 =	vadd.f32 v51, v18;
	v54 =	vadd.f32 v52, v38  }
0x166: {  	v46 =	vadd.f32 $1.000000000e+00, v26;
	v19 =	vmul.f32 v19, v13;
	v7 =	vmul.f32 v7, v22  }
0x167: {  	v39 =	vor.u32 s23, v57;
	v9 =	vmul.f32 v14, v9;
	v18 =	vmul.f32 v54, v18  }
0x168: {  	(erf) = vrcp.f32 v46;
	v19 =	vadd.f32 $6.666666860e-01, v19;
	v7 =	vadd.f32 $2.000000000e+00, v7  }
0x169: {  	v9 =	vadd.f32 $2.000000000e+00, v9;
	v58 =	vshra.s32 v18, $0x1;
	v18 =	vmul.f32 $5.000000000e-01, v18  }
0x16a: {  	v53 =	vld [tilespmem:$0x1FFA0];
	v13 =	vmul.f32 v19, v13;
	v10 =	vmul.f32 v7, v10;
	v19 =	vsub.s32 $0x5F3759DF, v58  }
0x16b: {  	s31 =	simm.s32 $0xD0;
	v22 =	vor.u32 s23, v55;
	v55 =	vld [tilespmem:$0x1FF90];
	v9 =	vmul.f32 v9, v12;
	v12 =	vmul.f32 v19, v18  }
0x16c: {  	v29 =	vadd.s32 v1, v29;
	v44 =	vor.u32 s31, v61;
	v7 =	vld [tilespmem:$0x1FFB0];
	v8 =	vadd.f32 v10, v8  }
0x16d: {  	s22 =	simm.s32 $0xF0;
	v6 =	vmul.f32 $6.931471820e-01, v6;
	v9 =	vadd.f32 v9, v15;
	v12 =	vmul.f32 v19, v12;
	v15 =	vld [tilespmem:$0x1FFE0]  }
0x16e: {  	v23 =	vshra.s32 v23, $0x17;
	v16 =	vadd.f32 $-1.000000000e+00, v16;
	v10 =	vor.u32 s22, v61;
	[tilespmem:v32+s18+$0x0] =	vst.idx.add.f32.msk $0xffff, v8  }
0x16f: {  	v5 =	vshra.s32 v5, $0x17;
	v59 =	vmul.f32 $6.931471820e-01, v27;
	v11 =	vmul.f32 v11, v20;
	v37 =	vpop (erf);
	v43 =	vld.idx.msk [tilespmem:v35+s3+$0x0], $0xffff  }
0x170: {  	v40 =	vor.u32 s23, v53;
	v45 =	vmul.f32 v37, v16;
	v8 =	vadd.f32 $-1.000000000e+00, v24;
	v53 =	vld.idx.msk [tilespmem:v22+s11+$0x0], $0xffff  }
0x171: {  	v54 =	vmul.f32 v21, v25;
	v13 =	vadd.f32 $2.000000000e+00, v13;
	[tilespmem:v3+s18+$0x0] =	vst.idx.add.f32.msk $0xffff, v9;
	v3 =	vsub.f32 $1.500000000e+00, v12;
	v12 =	vpop (erf)  }
0x172: {  	v38 =	vor.u32 s23, v55;
	v9 =	vadd.f32 $-1.000000000e+00, v26;
	v46 =	vmul.f32 v12, v8  }
0x173: {  	v5 =	vadd.s32 $0xFFFFFF81, v5;
	v37 =	vld.idx.msk [tilespmem:v10+s12+$0x0], $0xffff;
	v51 =	vpop (erf);
	v8 =	vmul.f32 v19, v3;
	v3 =	vmul.f32 v45, v45  }
0x174: {  	v10 =	vadd.s32 v1, v0;
	v12 =	vld.idx.msk [tilespmem:v22+s3+$0x0], $0xffff;
	v49 =	vmul.f32 v51, v9;
	v9 =	vmul.f32 v13, v17  }
0x175: {  	v47 =	vadd.s32 $0xFFFFFF81, v23;
	v13 =	vld.idx.msk [tilespmem:v35+s11+$0x0], $0xffff;
	v20 =	vmul.f32 v43, v43;
	v58 =	vmul.f32 v53, v53  }
0x176: {  	v14 =	vor.u32 s23, v56;
	v52 =	vmul.f32 v8, v18;
	v6 =	vadd.f32 v9, v6;
	v9 =	vld.idx.msk [tilespmem:v40+s3+$0x0], $0xffff;
	[tilespmem:$0x1FE70] =	vst v2  }
0x177: {  	v24 =	vor.u32 s23, v4;
	v0 =	vmul.f32 v46, v46;
	v2 =	vmul.f32 $2.222222240e-01, v3;
	v21 =	vld.idx.msk [tilespmem:v38+s3+$0x0], $0xffff  }
0x178: {  	v7 =	vor.u32 s23, v7;
	v32 =	vmul.f32 v49, v49;
	v17 =	vmul.f32 v52, v8;
	v57 =	vld.idx.msk [tilespmem:v38+s11+$0x0], $0xffff  }
0x179: {  	v15 =	vor.u32 s23, v15;
	v38 =	vmul.f32 $2.222222240e-01, v0;
	[tilespmem:v10+s18+$0x0] =	vst.idx.add.f32.msk $0xffff, v6;
	v10 =	vmul.f32 v34, v42  }
0x17a: {  	v55 =	vld.idx.msk [tilespmem:v40+s11+$0x0], $0xffff;
	v6 =	vadd.f32 v54, v11;
	v22 =	vmul.f32 v12, v12;
	v12 =	vmul.f32 v53, v12  }
0x17b: {  	v2 =	vadd.f32 $2.857142980e-01, v2;
	v34 =	vshra.s32 v31, $0x17;
	v11 =	vsub.f32 $1.500000000e+00, v17  }
0x17c: {  	v17 =	vadd.s32 v1, v30;
	v56 =	vmul.f32 v13, v13;
	v25 =	vadd.f32 $2.857142980e-01, v38  }
0x17d: {  	v41 =	vld.idx.msk [tilespmem:v7+s3+$0x0], $0xffff;
	v6 =	vadd.f32 v10, v6;
	v10 =	vmul.f32 v13, v43;
	v2 =	vmul.f32 v2, v3  }
0x17e: {  	s30 =	simm.s32 $0xB0;
	v7 =	vld.idx.msk [tilespmem:v7+s11+$0x0], $0xffff;
	v20 =	vadd.f32 v22, v20;
	v8 =	vmul.f32 v11, v8;
	v30 =	vmul.f32 v9, v9  }
0x17f: {  	v13 =	vld.idx.msk [tilespmem:v37+s15+$0x0], $0xffff;
	v43 =	vor.u32 s30, v61;
	v25 =	vmul.f32 v25, v0;
	v9 =	vmul.f32 v55, v9  }
0x180: {  	v22 =	vld.idx.msk [tilespmem:v14+s3+$0x0], $0xffff;
	v11 =	vadd.f32 v33, v59;
	v19 =	vmul.f32 v55, v55;
	v26 =	vmul.f32 v57, v57  }
0x181: {  	v10 =	vadd.f32 v12, v10;
	v12 =	vld.idx.msk [tilespmem:v39+s3+$0x0], $0xffff;
	v2 =	vadd.f32 $4.000000060e-01, v2;
	v6 =	vmul.f32 v8, v6  }
0x182: {  	v59 =	vld.idx.msk [tilespmem:v15+s3+$0x0], $0xffff;
	v16 =	vadd.f32 v58, v56;
	v8 =	vmul.f32 v21, v21;
	v21 =	vmul.f32 v57, v21  }
0x183: {  	v25 =	vadd.f32 $4.000000060e-01, v25;
	v19 =	vadd.f32 v26, v19;
	v2 =	vmul.f32 v2, v3  }
0x184: {  	v14 =	vld.idx.msk [tilespmem:v14+s11+$0x0], $0xffff;
	v26 =	vmul.f32 v7, v41;
	v7 =	vmul.f32 v7, v7;
	v6 =	vadd.f32 $-1.000000000e+00, v6  }
0x185: {  	v40 =	vld.idx.msk [tilespmem:v39+s11+$0x0], $0xffff;
	v8 =	vadd.f32 v8, v30;
	v30 =	vmul.f32 $2.222222240e-01, v32;
	v25 =	vmul.f32 v25, v0  }
0x186: {  	v15 =	vld.idx.msk [tilespmem:v15+s11+$0x0], $0xffff;
	v9 =	vadd.f32 v21, v9;
	v6 =	vmul.f32 v6, v13;
	v42 =	vmul.f32 v12, v12  }
0x187: {  	v21 =	vmul.f32 v59, v59;
	v31 =	vadd.f32 $6.666666860e-01, v2;
	v13 =	vmul.f32 v22, v22  }
0x188: {  	v6 =	vmax.f32 v6, $-8.800000000e+01;
	v18 =	vadd.f32 v42, v20;
	v20 =	vmul.f32 v41, v41  }
0x189: {  	v2 =	vadd.f32 v7, v19;
	v22 =	vmul.f32 v14, v22;
	v6 =	vmul.f32 $1.442695020e+00, v6  }
0x18a: {  	v14 =	vmul.f32 v14, v14;
	v12 =	vmul.f32 v40, v12;
	v8 =	vadd.f32 v20, v8;
	v20 =	vld.idx.msk [tilespmem:v24+s3+$0x0], $0xffff  }
0x18b: {  	v30 =	vadd.f32 $2.857142980e-01, v30;
	v24 =	vld.idx.msk [tilespmem:v24+s11+$0x0], $0xffff;
	(erf) = vpow2.f32 v6;
	v6 =	vmul.f32 v15, v15  }
0x18c: {  	v25 =	vadd.f32 $6.666666860e-01, v25;
	v57 =	vadd.f32 v26, v9;
	v3 =	vmul.f32 v31, v3  }
0x18d: {  	s29 =	simm.s32 $0x90;
	v31 =	vcvt.s32.f32 v5;
	v6 =	vadd.f32 v6, v14;
	v14 =	vmul.f32 v40, v40  }
0x18e: {  	v13 =	vadd.f32 v21, v13;
	v21 =	vor.u32 s29, v61;
	v30 =	vmul.f32 v30, v32  }
0x18f: {  	v51 =	vld.idx.msk [tilespmem:v44+s12+$0x0], $0xffff;
	v15 =	vmul.f32 v15, v59;
	v14 =	vadd.f32 v14, v16;
	v7 =	vmul.f32 v20, v20  }
0x190: {  	v58 =	vld.idx.msk [tilespmem:v37+s16+$0x0], $0xffff;
	v30 =	vadd.f32 $4.000000060e-01, v30;
	v2 =	vmul.f32 v2, v8;
	v59 =	vmul.f32 v24, v24  }
0x191: {  	v56 =	vld.idx.msk [tilespmem:v43+s12+$0x0], $0xffff;
	v15 =	vadd.f32 v15, v22;
	v14 =	vmul.f32 v14, v18;
	v7 =	vadd.f32 v7, v13  }
0x192: {  	v33 =	vshra.s32 v2, $0x1;
	v24 =	vmul.f32 v24, v20;
	v6 =	vadd.f32 v59, v6  }
0x193: {  	v8 =	vld.idx.msk [tilespmem:v37+s17+$0x0], $0xffff;
	v20 =	vmul.f32 $5.000000000e-01, v2;
	v13 =	vshra.s32 v14, $0x1;
	v14 =	vmul.f32 $5.000000000e-01, v14  }
0x194: {  	v18 =	vsub.s32 $0x5F3759DF, v33;
	v6 =	vmul.f32 v6, v7;
	v13 =	vsub.s32 $0x5F3759DF, v13  }
0x195: {  	v23 =	vld.idx.msk [tilespmem:v21+s12+$0x0], $0xffff;
	v2 =	vadd.f32 v12, v10;
	v10 =	vmul.f32 v18, v20;
	v7 =	vpop (erf);
	v22 =	vmul.f32 v13, v14  }
0x196: {  	[tilespmem:v17+s19+$0x0] =	vst.idx.add.f32.msk $0xffff, v11;
	v11 =	vshra.s32 v6, $0x1;
	v6 =	vmul.f32 $5.000000000e-01, v6;
	v7 =	vmul.f32 v7, v58  }
0x197: {  	v54 =	vld.idx.msk [tilespmem:v51+s15+$0x0], $0xffff;
	v30 =	vmul.f32 v30, v32;
	v38 =	vsub.s32 $0x5F3759DF, v11;
	v12 =	vmul.f32 v13, v22  }
0x198: {  	v48 =	vld.idx.msk [tilespmem:v51+s16+$0x0], $0xffff;
	v55 =	vadd.f32 v7, v8;
	v7 =	vmul.f32 v18, v10;
	v8 =	vmul.f32 v38, v6  }
0x199: {  	v39 =	vmul.f32 v25, v0;
	v52 =	vld.idx.msk [tilespmem:v56+s15+$0x0], $0xffff;
	v21 =	vadd.f32 $6.666666860e-01, v30;
	v9 =	vsub.f32 $1.500000000e+00, v12  }
0x19a: {  	v43 =	vld.idx.msk [tilespmem:v56+s16+$0x0], $0xffff;
	v11 =	vand.u32 $0x7FFFFF, v55;
	v12 =	vsub.f32 $1.500000000e+00, v7;
	v8 =	vmul.f32 v38, v8  }
0x19b: {  	v44 =	vld.idx.msk [tilespmem:v56+s17+$0x0], $0xffff;
	v59 =	vcvt.s32.f32 v47;
	v10 =	vmul.f32 v13, v9;
	v7 =	vor.u32 $0x3F800000, v11  }
0x19c: {  	v47 =	vld.idx.msk [tilespmem:v51+s17+$0x0], $0xffff;
	v9 =	vmul.f32 v18, v12;
	v12 =	vadd.f32 $1.000000000e+00, v7;
	v5 =	vsub.f32 $1.500000000e+00, v8  }
0x19d: {  	v0 =	vadd.s32 $0xFFFFFF81, v34;
	v53 =	vld.idx.msk [tilespmem:v23+s15+$0x0], $0xffff;
	v11 =	vmul.f32 v21, v32;
	v13 =	vmul.f32 v10, v14  }
0x19e: {  	v42 =	vld.idx.msk [tilespmem:v23+s16+$0x0], $0xffff;
	v58 =	vadd.f32 v24, v15;
	(erf) = vrcp.f32 v12;
	v8 =	vmul.f32 v38, v5  }
0x19f: {  	s24 =	simm.s32 $0x2;
	s23 =	simm.s32 $0x8;
	v50 =	vld.idx.msk [tilespmem:v23+s17+$0x0], $0xffff;
	v5 =	vadd.f32 $2.000000000e+00, v3;
	v12 =	vmul.f32 v9, v20;
	v3 =	vadd.f32 $2.000000000e+00, v39  }
.LBB2_2:
0x1a0: {  	v4 =	vld [tilespmem:$0x1FFF0];
	_ =	sdelay $0x3  }
0x1a1: {  	s25 =	sshll.u32 s24, $0x9  }
0x1a2: {  	v4 =	vor.u32 s25, v4  }
0x1a3: {  	[tilespmem:$0x1FDF0] =	vst v4;
	v4 =	vld [tilespmem:$0x1FFA0];
	_ =	sdelay $0x4  }
0x1a4: {  	v4 =	vor.u32 s25, v4  }
0x1a5: {  	[tilespmem:$0x1FE00] =	vst v4;
	v4 =	vld [tilespmem:$0x1FF40];
	_ =	sdelay $0x4  }
0x1a6: {  	v25 =	vor.u32 s25, v4;
	v4 =	vld [tilespmem:$0x1FF90];
	_ =	sdelay $0x2  }
0x1a7: {  	v0 =	vcvt.s32.f32 v0;
	_ =	sdelay $0x1  }
0x1a8: {  	[tilespmem:$0x1FDC0] =	vst v0;
	v0 =	vld [tilespmem:$0x1FF00];
	v4 =	vor.u32 s25, v4  }
0x1a9: {  	[tilespmem:$0x1FE10] =	vst v4;
	v4 =	vld [tilespmem:$0x1FFD0];
	_ =	sdelay $0x4  }
0x1aa: {  	v18 =	vor.u32 s25, v0;
	v0 =	vld [tilespmem:$0x1FEC0];
	v4 =	vor.u32 s25, v4  }
0x1ab: {  	[tilespmem:$0x1FE20] =	vst v4;
	v4 =	vld [tilespmem:$0x1FFC0];
	_ =	sdelay $0x3  }
0x1ac: {  	v19 =	vor.u32 s25, v0;
	v0 =	vld [tilespmem:$0x1FED0]  }
0x1ad: {  	v4 =	vor.u32 s25, v4  }
0x1ae: {  	[tilespmem:$0x1FE40] =	vst v4;
	v4 =	vld [tilespmem:$0x1FFB0];
	_ =	sdelay $0x2  }
0x1af: {  	v20 =	vor.u32 s25, v0;
	v0 =	vld [tilespmem:$0x1FF20];
	_ =	sdelay $0x1  }
0x1b0: {  	v16 =	vor.u32 s25, v60;
	v4 =	vor.u32 s25, v4  }
0x1b1: {  	[tilespmem:$0x1FE50] =	vst v4;
	v4 =	vld [tilespmem:$0x1FFE0];
	_ =	sdelay $0x1  }
0x1b2: {  	v21 =	vor.u32 s25, v0;
	v0 =	vld [tilespmem:$0x1FEF0]  }
0x1b3: {  	v39 =	vld [tilespmem:$0x1FE80]  }
0x1b4: {  	v60 =	vld.idx.msk [tilespmem:v16+s3+$0x0], $0xffff  }
0x1b5: {  	v14 =	vmul.f32 v13, v10;
	v13 =	vld.idx.msk [tilespmem:v18+s3+$0x0], $0xffff;
	v4 =	vor.u32 s25, v4  }
0x1b6: {  	[tilespmem:$0x1FE30] =	vst v4;
	v4 =	vld [tilespmem:$0x1FEE0]  }
0x1b7: {  	v11 =	vadd.f32 $2.000000000e+00, v11;
	v6 =	vmul.f32 v8, v6;
	v1 =	vor.u32 s25, v0;
	v0 =	vld [tilespmem:$0x1FF10]  }
0x1b8: {  	v15 =	vor.u32 s25, v61;
	v61 =	vmul.f32 v5, v45;
	v40 =	vmul.f32 v3, v46;
	v22 =	vld.idx.msk [tilespmem:v18+s11+$0x0], $0xffff  }
0x1b9: {  	v5 =	vmul.f32 v6, v8;
	v46 =	vmul.f32 v11, v49;
	v49 =	vadd.s32 v39, v56;
	v56 =	vld.idx.msk [tilespmem:v19+s3+$0x0], $0xffff  }
0x1ba: {  	v7 =	vadd.f32 $-1.000000000e+00, v7;
	v38 =	vlaneseq.u32;
	v18 =	vld.idx.msk [tilespmem:v25+s3+$0x0], $0xffff  }
0x1bb: {  	v12 =	vmul.f32 v12, v9;
	v5 =	vsub.f32 $1.500000000e+00, v5;
	v24 =	vpop (erf);
	v17 =	vld.idx.msk [tilespmem:v21+s3+$0x0], $0xffff;
	v4 =	vor.u32 s25, v4  }
0x1bc: {  	v25 =	vld.idx.msk [tilespmem:v25+s11+$0x0], $0xffff;
	v27 =	vor.u32 s25, v0;
	v0 =	vor.u32 s25, v63;
	[tilespmem:$0x1FE60] =	vst v4;
	v4 =	vmul.f32 v24, v7  }
0x1bd: {  	v41 =	vmovc v29;
	v26 =	vor.u32 s25, v62;
	v5 =	vmul.f32 v5, v8;
	[tilespmem:$0x1FDE0] =	vst v0;
	v0 =	vld [tilespmem:$0x1FF30];
	v7 =	vsub.f32 $1.500000000e+00, v14  }
0x1be: {  	v45 =	vadd.s32 v39, v23;
	v11 =	vmul.f32 v13, v13;
	v24 =	vld.idx.msk [tilespmem:v21+s11+$0x0], $0xffff;
	v29 =	vmul.f32 v4, v4  }
0x1bf: {  	v13 =	vmul.f32 v22, v13;
	v8 =	vld.idx.msk [tilespmem:v1+s3+$0x0], $0xffff;
	v6 =	vmul.f32 v7, v10;
	v7 =	vsub.f32 $1.500000000e+00, v12  }
0x1c0: {  	v23 =	vadd.s32 v39, v51;
	v14 =	vmul.f32 v17, v17;
	v12 =	vld.idx.msk [tilespmem:v15+s3+$0x0], $0xffff;
	v10 =	vmul.f32 $2.222222240e-01, v29  }
0x1c1: {  	v37 =	vadd.s32 v39, v37;
	v32 =	vmul.f32 v18, v18;
	v3 =	vmul.f32 v7, v9;
	v9 =	vld.idx.msk [tilespmem:v15+s11+$0x0], $0xffff  }
0x1c2: {  	v11 =	vadd.f32 v14, v11;
	v2 =	vmul.f32 v6, v2;
	v6 =	vld.idx.msk [tilespmem:v16+s11+$0x0], $0xffff;
	v7 =	vadd.f32 $2.857142980e-01, v10  }
0x1c3: {  	v28 =	vor.u32 s25, v0;
	v0 =	vld [tilespmem:$0x1FF60];
	v15 =	vmul.f32 v24, v24;
	v10 =	vmul.f32 v22, v22  }
0x1c4: {  	v33 =	vmul.f32 v25, v25;
	v62 =	vld.idx.msk [tilespmem:v27+s3+$0x0], $0xffff;
	v11 =	vadd.f32 v32, v11;
	v21 =	vmul.f32 v7, v29  }
0x1c5: {  	v32 =	vmul.f32 v56, v56;
	v17 =	vmul.f32 v24, v17;
	v7 =	vld.idx.msk [tilespmem:v20+s3+$0x0], $0xffff;
	v15 =	vadd.f32 v15, v10  }
0x1c6: {  	v14 =	vld.idx.msk [tilespmem:v20+s11+$0x0], $0xffff;
	v34 =	vmul.f32 v12, v12;
	v20 =	vmul.f32 v9, v9;
	v35 =	vadd.f32 $4.000000060e-01, v21  }
0x1c7: {  	v10 =	vld.idx.msk [tilespmem:v19+s11+$0x0], $0xffff;
	v30 =	vmul.f32 v6, v6;
	v21 =	vmul.f32 v60, v60;
	v15 =	vadd.f32 v33, v15  }
0x1c8: {  	[tilespmem:$0x1FDD0] =	vst v36;
	v0 =	vor.u32 s25, v0;
	v19 =	vld.idx.msk [tilespmem:v28+s11+$0x0], $0xffff;
	v60 =	vmul.f32 v6, v60;
	v16 =	vmul.f32 v35, v29  }
0x1c9: {  	v51 =	vadd.f32 v21, v34;
	v36 =	vmul.f32 v15, v11;
	v21 =	vmul.f32 v9, v12;
	v15 =	vld.idx.msk [tilespmem:v1+s11+$0x0], $0xffff  }
0x1ca: {  	v11 =	vld.idx.msk [tilespmem:v27+s11+$0x0], $0xffff;
	v35 =	vshra.s32 v55, $0x17;
	v33 =	vmul.f32 v7, v7;
	v1 =	vadd.f32 $6.666666860e-01, v16  }
0x1cb: {  	s22 =	sadd.s32 $0x80, s22;
	v9 =	vld.idx.msk [tilespmem:v26+s3+$0x0], $0xffff;
	v12 =	vshra.s32 v36, $0x1;
	v27 =	vmul.f32 $5.000000000e-01, v36;
	v36 =	vadd.s32 $0xFFFFFF81, v35  }
0x1cc: {  	s28 =	sadd.s32 $0xFFFFFFF0, s22;
	v16 =	vld.idx.msk [tilespmem:v28+s3+$0x0], $0xffff;
	v28 =	vmul.f32 v14, v14;
	v34 =	vsub.s32 $0x5F3759DF, v12;
	v1 =	vmul.f32 v1, v29  }
0x1cd: {  	v55 =	vor.u32 s28, v38;
	v12 =	vld.idx.msk [tilespmem:v26+s11+$0x0], $0xffff;
	v35 =	vcvt.s32.f32 v36;
	v26 =	vmul.f32 v34, v27  }
0x1ce: {  	v32 =	vadd.f32 v33, v32;
	v33 =	vmul.f32 v62, v62;
	v1 =	vadd.f32 $2.000000000e+00, v1  }
0x1cf: {  	v13 =	vadd.f32 v17, v13;
	v29 =	vmul.f32 v10, v10;
	v36 =	vmul.f32 v34, v26  }
0x1d0: {  	v30 =	vadd.f32 v30, v20;
	v20 =	vld.idx.msk [tilespmem:v0+s3+$0x0], $0xffff;
	v1 =	vmul.f32 v1, v4;
	v4 =	vmul.f32 $6.931471820e-01, v35  }
0x1d1: {  	v26 =	vld.idx.msk [tilespmem:v0+s11+$0x0], $0xffff;
	v0 =	vmul.f32 v8, v8;
	v35 =	vmul.f32 v15, v15;
	v36 =	vsub.f32 $1.500000000e+00, v36  }
0x1d2: {  	v1 =	vadd.f32 v1, v4;
	v4 =	vadd.f32 v28, v29;
	v29 =	vmul.f32 v11, v11  }
0x1d3: {  	s0 =	sadd.s32 $0xFFFFFF90, s22;
	v28 =	vadd.f32 v33, v0;
	v0 =	vld.idx.msk [tilespmem:v55+s12+$0x0], $0xffff;
	v55 =	vmul.f32 v9, v9;
	v34 =	vmul.f32 v34, v36  }
0x1d4: {  	v33 =	vor.u32 s0, v38;
	v36 =	vmul.f32 v16, v16;
	[tilespmem:v37+s19+$0x0] =	vst.idx.add.f32.msk $0xffff, v1;
	v1 =	vmul.f32 v12, v12  }
0x1d5: {  	v29 =	vadd.f32 v29, v35;
	v35 =	vadd.f32 v55, v51;
	v27 =	vmul.f32 v34, v27  }
0x1d6: {  	v51 =	vmul.f32 v19, v19;
	v1 =	vadd.f32 v1, v30;
	v30 =	vmul.f32 v20, v20  }
0x1d7: {  	v7 =	vmul.f32 v14, v7;
	v22 =	vadd.f32 v36, v32;
	v55 =	vmul.f32 v27, v34  }
0x1d8: {  	v32 =	vmul.f32 v25, v18;
	v4 =	vadd.f32 v51, v4;
	v28 =	vadd.f32 v30, v28  }
0x1d9: {  	v27 =	vld.idx.msk [tilespmem:v33+s12+$0x0], $0xffff;
	v30 =	vmul.f32 v26, v26;
	v33 =	vsub.f32 $1.500000000e+00, v55;
	v1 =	vmul.f32 v1, v35  }
0x1da: {  	v10 =	vmul.f32 v10, v56;
	v13 =	vadd.f32 v32, v13;
	v4 =	vmul.f32 v4, v22  }
0x1db: {  	s30 =	sadd.s32 $0xFFFFFFD0, s22;
	v22 =	vadd.f32 v30, v29;
	v36 =	vmul.f32 v33, v34;
	v37 =	vshra.s32 v1, $0x1  }
0x1dc: {  	v32 =	vor.u32 s30, v38;
	v18 =	vld.idx.msk [tilespmem:v0+s15+$0x0], $0xffff;
	v1 =	vmul.f32 $5.000000000e-01, v1;
	v17 =	vsub.s32 $0x5F3759DF, v37  }
0x1dd: {  	v22 =	vmul.f32 v22, v28;
	v28 =	vshra.s32 v4, $0x1;
	v13 =	vmul.f32 v36, v13  }
0x1de: {  	v4 =	vmul.f32 $5.000000000e-01, v4;
	v29 =	vmul.f32 v17, v1;
	v28 =	vsub.s32 $0x5F3759DF, v28  }
0x1df: {  	v51 =	vshra.s32 v22, $0x1;
	v22 =	vmul.f32 $5.000000000e-01, v22;
	v13 =	vadd.f32 $-1.000000000e+00, v13  }
0x1e0: {  	v30 =	vmul.f32 v28, v4;
	v29 =	vmul.f32 v17, v29;
	v25 =	vsub.s32 $0x5F3759DF, v51  }
0x1e1: {  	s31 =	sadd.s32 $0xFFFFFFB0, s22;
	v33 =	vld.idx.msk [tilespmem:v27+s15+$0x0], $0xffff;
	v55 =	vmul.f32 v25, v22;
	v18 =	vmul.f32 v13, v18  }
0x1e2: {  	v35 =	vor.u32 s31, v38;
	v37 =	vadd.s32 v39, v27;
	v6 =	vld.idx.msk [tilespmem:v27+s17+$0x0], $0xffff;
	v30 =	vmul.f32 v28, v30  }
0x1e3: {  	v13 =	vld.idx.msk [tilespmem:v27+s16+$0x0], $0xffff;
	v29 =	vsub.f32 $1.500000000e+00, v29;
	v27 =	vmul.f32 v25, v55;
	v18 =	vmax.f32 v18, $-8.800000000e+01  }
0x1e4: {  	v8 =	vmul.f32 v15, v8;
	v14 =	vld.idx.msk [tilespmem:v32+s12+$0x0], $0xffff;
	v30 =	vsub.f32 $1.500000000e+00, v30;
	v18 =	vmul.f32 $1.442695020e+00, v18  }
0x1e5: {  	v11 =	vmul.f32 v11, v62;
	v17 =	vmul.f32 v17, v29;
	v27 =	vsub.f32 $1.500000000e+00, v27  }
0x1e6: {  	v7 =	vadd.f32 v7, v10;
	v10 =	vmul.f32 v28, v30;
	(erf) = vpow2.f32 v18  }
0x1e7: {  	v24 =	vld.idx.msk [tilespmem:v35+s12+$0x0], $0xffff;
	v1 =	vmul.f32 v17, v1;
	v32 =	vmul.f32 v25, v27  }
0x1e8: {  	s26 =	sadd.s32 $0xFFFFFFC0, s22;
	v21 =	vadd.f32 v60, v21;
	v9 =	vmul.f32 v12, v9;
	v4 =	vmul.f32 v10, v4  }
0x1e9: {  	v56 =	vor.u32 s26, v38;
	v1 =	vmul.f32 v1, v17;
	v22 =	vmul.f32 v32, v22  }
0x1ea: {  	v8 =	vadd.f32 v11, v8;
	v12 =	vmul.f32 v19, v16;
	v11 =	vld.idx.msk [tilespmem:v0+s17+$0x0], $0xffff;
	v4 =	vmul.f32 v4, v10  }
0x1eb: {  	s29 =	sadd.s32 $0xFFFFFFA0, s22;
	s28 =	sadd.s32 $0xFFFFFFE0, s22;
	v9 =	vadd.f32 v9, v21;
	v27 =	vld.idx.msk [tilespmem:v0+s16+$0x0], $0xffff;
	v1 =	vsub.f32 $1.500000000e+00, v1;
	v22 =	vmul.f32 v22, v32  }
0x1ec: {  	v51 =	vor.u32 s29, v38;
	v55 =	vor.u32 s28, v38;
	v36 =	vld.idx.msk [tilespmem:v14+s15+$0x0], $0xffff;
	v4 =	vsub.f32 $1.500000000e+00, v4  }
0x1ed: {  	v38 =	vmul.f32 v26, v20;
	v20 =	vld.idx.msk [tilespmem:v14+s16+$0x0], $0xffff;
	v1 =	vmul.f32 v1, v17;
	v35 =	vsub.f32 $1.500000000e+00, v22  }
0x1ee: {  	v7 =	vadd.f32 v12, v7;
	v62 =	vadd.s32 v39, v14;
	v12 =	vld.idx.msk [tilespmem:v14+s17+$0x0], $0xffff;
	v4 =	vmul.f32 v4, v10  }
0x1ef: {  	v8 =	vadd.f32 v38, v8;
	v34 =	vld.idx.msk [tilespmem:v24+s15+$0x0], $0xffff;
	v1 =	vmul.f32 v1, v9;
	v10 =	vmul.f32 v35, v32;
	v14 =	vpop (erf)  }
0x1f0: {  	v2 =	vadd.f32 $-1.000000000e+00, v2;
	v4 =	vmul.f32 v4, v7;
	v9 =	vmul.f32 v14, v27  }
0x1f1: {  	v3 =	vmul.f32 v3, v57;
	v1 =	vadd.f32 $-1.000000000e+00, v1;
	v7 =	vmul.f32 v10, v8  }
0x1f2: {  	v4 =	vadd.f32 $-1.000000000e+00, v4;
	v8 =	vadd.f32 v9, v11  }
0x1f3: {  	v5 =	vmul.f32 v5, v58;
	v3 =	vadd.f32 $-1.000000000e+00, v3;
	v7 =	vadd.f32 $-1.000000000e+00, v7  }
0x1f4: {  	v1 =	vmul.f32 v1, v33;
	v4 =	vmul.f32 v4, v34;
	v9 =	vand.u32 $0x7FFFFF, v8  }
0x1f5: {  	v2 =	vmul.f32 v2, v53;
	v9 =	vor.u32 $0x3F800000, v9;
	v7 =	vmul.f32 v7, v36  }
0x1f6: {  	v1 =	vmax.f32 v1, $-8.800000000e+01;
	v4 =	vmax.f32 v4, $-8.800000000e+01;
	v10 =	vadd.f32 $1.000000000e+00, v9  }
0x1f7: {  	v1 =	vmul.f32 $1.442695020e+00, v1;
	v4 =	vmul.f32 $1.442695020e+00, v4;
	v7 =	vmax.f32 v7, $-8.800000000e+01  }
0x1f8: {  	v5 =	vadd.f32 $-1.000000000e+00, v5;
	(erf) = vrcp.f32 v10;
	v7 =	vmul.f32 $1.442695020e+00, v7  }
0x1f9: {  	(erf) = vpow2.f32 v1;
	v1 =	vmax.f32 v2, $-8.800000000e+01;
	v2 =	vmul.f32 v3, v52  }
0x1fa: {  	v3 =	vmul.f32 v5, v54;
	(erf) = vpow2.f32 v4  }
0x1fb: {  	v1 =	vmul.f32 $1.442695020e+00, v1;
	v4 =	vmul.f32 $6.931471820e-01, v31;
	v2 =	vmax.f32 v2, $-8.800000000e+01  }
0x1fc: {  	(erf) = vpow2.f32 v7;
	v3 =	vmax.f32 v3, $-8.800000000e+01;
	v2 =	vmul.f32 $1.442695020e+00, v2  }
0x1fd: {  	v3 =	vmul.f32 $1.442695020e+00, v3;
	(erf) = vpow2.f32 v1  }
0x1fe: {  	v7 =	vadd.f32 v61, v4;
	v4 =	vld [tilespmem:$0x1FDC0];
	(erf) = vpow2.f32 v2  }
0x1ff: {  	v5 =	vmul.f32 $6.931471820e-01, v59;
	(erf) = vpow2.f32 v3;
	v3 =	vld [tilespmem:$0x1FDD0];
	_ =	sdelay $0x1  }
0x200: {  	v2 =	vadd.f32 v40, v5;
	v5 =	vadd.f32 $-1.000000000e+00, v9  }
0x201: {  	v1 =	vpop (erf)  }
0x202: {  	v1 =	vmul.f32 v1, v5;
	v5 =	vld [tilespmem:$0x1FE70]  }
0x203: {  	v15 =	vld.idx.msk [tilespmem:v24+s16+$0x0], $0xffff;
	v4 =	vmul.f32 $6.931471820e-01, v4;
	_ =	sdelay $0x1  }
0x204: {  	v60 =	vadd.s32 v39, v24;
	v24 =	vld.idx.msk [tilespmem:v24+s17+$0x0], $0xffff  }
0x205: {  	[tilespmem:v3+s19+$0x0] =	vst.idx.add.f32.msk $0xffff, v7;
	v3 =	vpop (erf)  }
0x206: {  	[tilespmem:v41+s19+$0x0] =	vst.idx.add.f32.msk $0xffff, v2;
	v2 =	vmov v23;
	v7 =	vadd.f32 v46, v4;
	v3 =	vmul.f32 v3, v13;
	v4 =	vpop (erf)  }
0x207: {  	[tilespmem:$0x1FE70] =	vst v2;
	v2 =	vmul.f32 v4, v15;
	v4 =	vmul.f32 v1, v1;
	_ =	sdelay $0x1  }
0x208: {  	[tilespmem:v5+s19+$0x0] =	vst.idx.add.f32.msk $0xffff, v7;
	v5 =	vpop (erf);
	v3 =	vadd.f32 v3, v6;
	v6 =	vmul.f32 $2.222222240e-01, v4  }
0x209: {  	v5 =	vmul.f32 v5, v20;
	v2 =	vadd.f32 v2, v24  }
0x20a: {  	v7 =	vshra.s32 v3, $0x17;
	v3 =	vand.u32 $0x7FFFFF, v3;
	v6 =	vadd.f32 $2.857142980e-01, v6  }
0x20b: {  	v5 =	vadd.f32 v5, v12;
	v3 =	vor.u32 $0x3F800000, v3;
	v10 =	vand.u32 $0x7FFFFF, v2  }
0x20c: {  	v9 =	vpop (erf);
	v12 =	vadd.f32 $1.000000000e+00, v3;
	v10 =	vor.u32 $0x3F800000, v10;
	v6 =	vmul.f32 v6, v4  }
0x20d: {  	v11 =	vpop (erf);
	v2 =	vshra.s32 v2, $0x17;
	v13 =	vand.u32 $0x7FFFFF, v5;
	v15 =	vadd.f32 $1.000000000e+00, v10  }
0x20e: {  	v14 =	vpop (erf);
	v13 =	vor.u32 $0x3F800000, v13;
	(erf) = vrcp.f32 v12;
	v6 =	vadd.f32 $4.000000060e-01, v6  }
0x20f: {  	v46 =	vadd.f32 $-1.000000000e+00, v3;
	v3 =	vadd.f32 $1.000000000e+00, v13;
	(erf) = vrcp.f32 v15  }
0x210: {  	v2 =	vadd.s32 $0xFFFFFF81, v2;
	v6 =	vmul.f32 v6, v4  }
0x211: {  	v5 =	vshra.s32 v5, $0x17;
	(erf) = vrcp.f32 v3;
	v3 =	vadd.s32 $0xFFFFFF81, v7  }
0x212: {  	v5 =	vadd.s32 $0xFFFFFF81, v5;
	v3 =	vcvt.s32.f32 v3;
	v6 =	vadd.f32 $6.666666860e-01, v6  }
0x213: {  	v2 =	vcvt.s32.f32 v2;
	v12 =	vadd.f32 $-1.000000000e+00, v13;
	v5 =	vcvt.s32.f32 v5  }
0x214: {  	v13 =	vshra.s32 v8, $0x17;
	v7 =	vmul.f32 $6.931471820e-01, v3;
	v4 =	vmul.f32 v6, v4  }
0x215: {  	v3 =	vmul.f32 $6.931471820e-01, v2;
	v2 =	vmul.f32 $6.931471820e-01, v5;
	v5 =	vadd.s32 $0xFFFFFF81, v13  }
0x216: {  	v5 =	vcvt.s32.f32 v5;
	v4 =	vadd.f32 $2.000000000e+00, v4  }
0x217: {  	v10 =	vadd.f32 $-1.000000000e+00, v10;
	v8 =	vpop (erf)  }
0x218: {  	v0 =	vadd.s32 v39, v0;
	v13 =	vpop (erf);
	v1 =	vmul.f32 v4, v1;
	v4 =	vmul.f32 $6.931471820e-01, v5;
	v5 =	vld [tilespmem:$0x1FF50]  }
0x219: {  	v10 =	vmul.f32 v13, v10;
	v13 =	vld [tilespmem:$0x1FF70];
	_ =	sdelay $0x1  }
0x21a: {  	v9 =	vmul.f32 v9, v42;
	v8 =	vmul.f32 v8, v46;
	v1 =	vadd.f32 v1, v4  }
0x21b: {  	v6 =	vmul.f32 v11, v43;
	v11 =	vmul.f32 v14, v48;
	v14 =	vpop (erf)  }
0x21c: {  	v12 =	vmul.f32 v14, v12;
	v14 =	vmul.f32 v8, v8;
	[tilespmem:v0+s18+$0x0] =	vst.idx.add.f32.msk $0xffff, v1;
	v5 =	vor.u32 s25, v5  }
0x21d: {  	v4 =	vadd.f32 v6, v44;
	v6 =	vmul.f32 v10, v10;
	v0 =	vld [tilespmem:$0x1FF80];
	v13 =	vor.u32 s25, v13;
	_ =	sdelay $0x1  }
0x21e: {  	v29 =	vmovc v49;
	v9 =	vadd.f32 v9, v50;
	v48 =	vmul.f32 $2.222222240e-01, v14;
	v49 =	vmul.f32 $2.222222240e-01, v6  }
0x21f: {  	v11 =	vadd.f32 v11, v47;
	v15 =	vmul.f32 v12, v12  }
0x220: {  	v1 =	vand.u32 $0x7FFFFF, v9;
	v16 =	vadd.f32 $2.857142980e-01, v48;
	v17 =	vadd.f32 $2.857142980e-01, v49;
	v19 =	vld.idx.msk [tilespmem:v5+s3+$0x0], $0xffff  }
0x221: {  	v20 =	vand.u32 $0x7FFFFF, v4;
	v50 =	vmul.f32 $2.222222240e-01, v15;
	v0 =	vor.u32 s25, v0;
	v21 =	vld.idx.msk [tilespmem:v13+s3+$0x0], $0xffff  }
0x222: {  	v1 =	vor.u32 $0x3F800000, v1;
	v16 =	vmul.f32 v16, v14;
	v17 =	vmul.f32 v17, v6;
	v23 =	vld.idx.msk [tilespmem:v5+s11+$0x0], $0xffff  }
0x223: {  	v18 =	vadd.f32 $2.857142980e-01, v50;
	v5 =	vor.u32 $0x3F800000, v20;
	v13 =	vld.idx.msk [tilespmem:v13+s11+$0x0], $0xffff;
	v20 =	vadd.f32 $1.000000000e+00, v1  }
0x224: {  	v22 =	vand.u32 $0x7FFFFF, v11;
	v16 =	vadd.f32 $4.000000060e-01, v16;
	v17 =	vadd.f32 $4.000000060e-01, v17  }
0x225: {  	v18 =	vmul.f32 v18, v15;
	v53 =	vadd.f32 $1.000000000e+00, v5;
	(erf) = vrcp.f32 v20  }
0x226: {  	v22 =	vor.u32 $0x3F800000, v22;
	v16 =	vmul.f32 v16, v14;
	v17 =	vmul.f32 v17, v6;
	v52 =	vld.idx.msk [tilespmem:v0+s3+$0x0], $0xffff  }
0x227: {  	(erf) = vrcp.f32 v53;
	v54 =	vld.idx.msk [tilespmem:v0+s11+$0x0], $0xffff;
	v0 =	vadd.f32 $1.000000000e+00, v22;
	v20 =	vmul.f32 v21, v21  }
0x228: {  	v16 =	vadd.f32 $6.666666860e-01, v16;
	v32 =	vmul.f32 v23, v23;
	v27 =	vmul.f32 v13, v13  }
0x229: {  	v18 =	vadd.f32 $4.000000060e-01, v18;
	(erf) = vrcp.f32 v0;
	v0 =	vmul.f32 v19, v19  }
0x22a: {  	v1 =	vadd.f32 $-1.000000000e+00, v1;
	v34 =	vadd.f32 $6.666666860e-01, v17;
	v14 =	vmul.f32 v16, v14  }
0x22b: {  	v0 =	vadd.f32 v20, v0;
	v20 =	vadd.f32 v27, v32;
	v27 =	vmul.f32 v18, v15  }
0x22c: {  	v5 =	vadd.f32 $-1.000000000e+00, v5;
	v28 =	vmul.f32 v52, v52;
	v33 =	vmul.f32 v54, v54  }
0x22d: {  	v6 =	vmul.f32 v34, v6;
	v14 =	vadd.f32 $2.000000000e+00, v14;
	v38 =	vadd.f32 $6.666666860e-01, v27  }
0x22e: {  	v36 =	vmov v45;
	v0 =	vadd.f32 v28, v0;
	v35 =	vadd.f32 v33, v20  }
0x22f: {  	v6 =	vadd.f32 $2.000000000e+00, v6;
	v8 =	vmul.f32 v14, v8;
	v39 =	vpop (erf);
	v14 =	vmul.f32 v38, v15  }
0x230: {  	v45 =	vmul.f32 v39, v1;
	v1 =	vshra.s32 v4, $0x17;
	v4 =	vpop (erf);
	v0 =	vmul.f32 v35, v0  }
0x231: {  	v46 =	vmul.f32 v4, v5;
	v4 =	vadd.f32 $2.000000000e+00, v14  }
0x232: {  	v40 =	vshra.s32 v0, $0x1;
	v41 =	vmul.f32 $5.000000000e-01, v0;
	v0 =	vmul.f32 v6, v10;
	_ =	sdelay $0x1  }
0x233: {  	v0 =	vadd.f32 v0, v3;
	v3 =	vmul.f32 v4, v12;
	v12 =	vld [tilespmem:$0x1FDF0]  }
0x234: {  	v61 =	vlaneseq.u32;
	v6 =	vsub.s32 $0x5F3759DF, v40  }
0x235: {  	v5 =	vadd.f32 v8, v7;
	v7 =	vmul.f32 v6, v41;
	v4 =	vor.u32 s22, v61  }
0x236: {  	v14 =	vld [tilespmem:$0x1FDE0]  }
0x237: {  	[tilespmem:v37+s18+$0x0] =	vst.idx.add.f32.msk $0xffff, v5;
	v5 =	vmul.f32 v6, v7  }
0x238: {  	v9 =	vshra.s32 v9, $0x17;
	[tilespmem:v60+s18+$0x0] =	vst.idx.add.f32.msk $0xffff, v0;
	v0 =	vadd.f32 v3, v2;
	v3 =	vmul.f32 v46, v46  }
0x239: {  	v44 =	vmul.f32 v45, v45;
	v2 =	vadd.s32 $0xFFFFFF81, v9;
	v9 =	vsub.f32 $1.500000000e+00, v5  }
0x23a: {  	v7 =	vshra.s32 v11, $0x17;
	v11 =	vmul.f32 $2.222222240e-01, v3;
	v37 =	vld.idx.msk [tilespmem:v4+s12+$0x0], $0xffff  }
0x23b: {  	v10 =	vmul.f32 $2.222222240e-01, v44;
	v4 =	vmul.f32 v6, v9;
	v9 =	vld.idx.msk [tilespmem:v12+s3+$0x0], $0xffff  }
0x23c: {  	v1 =	vadd.s32 $0xFFFFFF81, v1;
	v31 =	vcvt.s32.f32 v2;
	v2 =	vadd.f32 $2.857142980e-01, v11;
	v11 =	vld.idx.msk [tilespmem:v12+s11+$0x0], $0xffff  }
0x23d: {  	v6 =	vadd.f32 $2.857142980e-01, v10;
	v10 =	vmul.f32 v4, v41;
	v12 =	vmul.f32 v23, v19;
	v23 =	vld [tilespmem:$0x1FE30]  }
0x23e: {  	v59 =	vcvt.s32.f32 v1;
	v1 =	vld.idx.msk [tilespmem:v14+s11+$0x0], $0xffff  }
0x23f: {  	v13 =	vmul.f32 v13, v21;
	v10 =	vmul.f32 v10, v4  }
0x240: {  	v22 =	vadd.f32 $-1.000000000e+00, v22;
	v6 =	vmul.f32 v6, v44  }
0x241: {  	v15 =	vpop (erf);
	v12 =	vadd.f32 v13, v12;
	v13 =	vmul.f32 v54, v52;
	v10 =	vsub.f32 $1.500000000e+00, v10  }
0x242: {  	v49 =	vmul.f32 v15, v22;
	[tilespmem:v62+s18+$0x0] =	vst.idx.add.f32.msk $0xffff, v0;
	v6 =	vadd.f32 $4.000000060e-01, v6  }
0x243: {  	v22 =	vld [tilespmem:$0x1FE20];
	v20 =	vmul.f32 v1, v1;
	v12 =	vadd.f32 v13, v12;
	v4 =	vmul.f32 v10, v4  }
0x244: {  	v8 =	vld.idx.msk [tilespmem:v14+s3+$0x0], $0xffff;
	v6 =	vmul.f32 v6, v44;
	v13 =	vmul.f32 v11, v11  }
0x245: {  	v48 =	vmul.f32 v9, v9;
	v21 =	vld.idx.msk [tilespmem:v23+s3+$0x0], $0xffff;
	v4 =	vmul.f32 v4, v12  }
0x246: {  	v12 =	vadd.f32 $6.666666860e-01, v6;
	v6 =	vmul.f32 v11, v9;
	v9 =	vadd.f32 v13, v20;
	v20 =	vld.idx.msk [tilespmem:v23+s11+$0x0], $0xffff  }
0x247: {  	v23 =	vld [tilespmem:$0x1FE40];
	_ =	sdelay $0x3  }
0x248: {  	v42 =	vld [tilespmem:$0x1FE00];
	v15 =	vmul.f32 v8, v8  }
0x249: {  	v43 =	vld [tilespmem:$0x1FE10]  }
0x24a: {  	v1 =	vmul.f32 v1, v8;
	v8 =	vadd.f32 v48, v15;
	v15 =	vld.idx.msk [tilespmem:v22+s3+$0x0], $0xffff  }
0x24b: {  	v13 =	vld.idx.msk [tilespmem:v22+s11+$0x0], $0xffff  }
0x24c: {  	v22 =	vld.idx.msk [tilespmem:v23+s3+$0x0], $0xffff  }
0x24d: {  	v53 =	vld.idx.msk [tilespmem:v23+s11+$0x0], $0xffff  }
0x24e: {  	v23 =	vld [tilespmem:$0x1FE50];
	_ =	sdelay $0x2  }
0x24f: {  	v47 =	vld.idx.msk [tilespmem:v43+s3+$0x0], $0xffff  }
0x250: {  	v17 =	vld.idx.msk [tilespmem:v42+s11+$0x0], $0xffff;
	v5 =	vmul.f32 v49, v49  }
0x251: {  	v14 =	vld.idx.msk [tilespmem:v42+s3+$0x0], $0xffff  }
0x252: {  	v0 =	vadd.s32 $0xFFFFFF81, v7;
	v7 =	vmul.f32 $2.222222240e-01, v5;
	v19 =	vld.idx.msk [tilespmem:v43+s11+$0x0], $0xffff  }
0x253: {  	v2 =	vmul.f32 v2, v3;
	v10 =	vld.idx.msk [tilespmem:v37+s15+$0x0], $0xffff  }
0x254: {  	v7 =	vadd.f32 $2.857142980e-01, v7;
	v1 =	vadd.f32 v6, v1;
	v6 =	vld.idx.msk [tilespmem:v23+s3+$0x0], $0xffff  }
0x255: {  	v2 =	vadd.f32 $4.000000060e-01, v2;
	v32 =	vld.idx.msk [tilespmem:v23+s11+$0x0], $0xffff  }
0x256: {  	v7 =	vmul.f32 v7, v5;
	v50 =	vmul.f32 v14, v14;
	v4 =	vadd.f32 $-1.000000000e+00, v4;
	v23 =	vld [tilespmem:$0x1FE60]  }
0x257: {  	v14 =	vmul.f32 v17, v14;
	v17 =	vmul.f32 v17, v17  }
0x258: {  	v7 =	vadd.f32 $4.000000060e-01, v7;
	v2 =	vmul.f32 v2, v3;
	v4 =	vmul.f32 v4, v10  }
0x259: {  	v16 =	vmul.f32 v19, v47;
	v52 =	vmul.f32 v19, v19  }
0x25a: {  	v7 =	vmul.f32 v7, v5;
	v11 =	vmul.f32 v47, v47;
	v4 =	vmax.f32 v4, $-8.800000000e+01  }
0x25b: {  	v38 =	vadd.f32 $6.666666860e-01, v2;
	v12 =	vmul.f32 v12, v44;
	v4 =	vmul.f32 $1.442695020e+00, v4  }
0x25c: {  	v11 =	vadd.f32 v11, v50;
	v58 =	vmul.f32 v15, v15;
	v33 =	vmul.f32 v21, v21  }
0x25d: {  	v10 =	vadd.f32 v16, v14;
	v35 =	vmul.f32 v13, v13;
	(erf) = vpow2.f32 v4  }
0x25e: {  	v4 =	vadd.f32 $6.666666860e-01, v7;
	v39 =	vmul.f32 v22, v22;
	v7 =	vmul.f32 v53, v53;
	v34 =	vld.idx.msk [tilespmem:v23+s3+$0x0], $0xffff  }
0x25f: {  	v14 =	vadd.f32 v52, v17;
	v2 =	vmul.f32 v13, v15;
	v15 =	vmul.f32 v20, v20;
	v27 =	vld.idx.msk [tilespmem:v23+s11+$0x0], $0xffff  }
0x260: {  	v40 =	vmul.f32 v20, v21;
	v8 =	vadd.f32 v39, v8;
	v7 =	vadd.f32 v7, v9  }
0x261: {  	v13 =	vadd.f32 v33, v58;
	v41 =	vmul.f32 v6, v6;
	v9 =	vmul.f32 v32, v32  }
0x262: {  	v56 =	vld.idx.msk [tilespmem:v56+s12+$0x0], $0xffff;
	v15 =	vadd.f32 v15, v35;
	v19 =	vmul.f32 v53, v22;
	v7 =	vmul.f32 v7, v8  }
0x263: {  	v43 =	vld.idx.msk [tilespmem:v37+s16+$0x0], $0xffff;
	v6 =	vmul.f32 v32, v6;
	v11 =	vadd.f32 v41, v11;
	v8 =	vadd.f32 v9, v14  }
0x264: {  	v18 =	vadd.f32 v40, v2;
	v23 =	vld.idx.msk [tilespmem:v51+s12+$0x0], $0xffff;
	v42 =	vmul.f32 v34, v34;
	v9 =	vmul.f32 v27, v27  }
0x265: {  	v2 =	vadd.f32 v19, v1;
	v57 =	vadd.f32 v6, v10;
	v51 =	vld.idx.msk [tilespmem:v55+s12+$0x0], $0xffff;
	v8 =	vmul.f32 v8, v11  }
0x266: {  	v47 =	vshra.s32 v7, $0x1;
	v14 =	vld.idx.msk [tilespmem:v37+s17+$0x0], $0xffff;
	v13 =	vadd.f32 v42, v13;
	v48 =	vadd.f32 v9, v15  }
0x267: {  	v6 =	vshra.s32 v8, $0x1;
	v8 =	vmul.f32 $5.000000000e-01, v8;
	v15 =	vmul.f32 $5.000000000e-01, v7  }
0x268: {  	v60 =	vld [tilespmem:$0x1FEA0];
	v11 =	vsub.s32 $0x5F3759DF, v47;
	v1 =	vmul.f32 v27, v34;
	v7 =	vmul.f32 v48, v13;
	v9 =	vpop (erf)  }
0x269: {  	v62 =	vld [tilespmem:$0x1FEB0];
	v10 =	vmul.f32 v11, v15;
	v13 =	vsub.s32 $0x5F3759DF, v6;
	v9 =	vmul.f32 v9, v43  }
0x26a: {  	v44 =	vld.idx.msk [tilespmem:v56+s17+$0x0], $0xffff;
	v50 =	vmul.f32 v13, v8;
	v58 =	vshra.s32 v7, $0x1;
	v6 =	vmul.f32 $5.000000000e-01, v7  }
0x26b: {  	v52 =	vld.idx.msk [tilespmem:v56+s15+$0x0], $0xffff;
	v7 =	vmul.f32 v11, v10;
	v17 =	vsub.s32 $0x5F3759DF, v58;
	v55 =	vadd.f32 v9, v14  }
0x26c: {  	s23 =	sadd.s32 $0x8, s23;
	v53 =	vld.idx.msk [tilespmem:v23+s15+$0x0], $0xffff;
	v9 =	vmul.f32 v13, v50;
	v58 =	vadd.f32 v1, v18;
	v1 =	vmul.f32 v17, v6  }
0x26d: {  	p0 =	slt.u32 s23, $0x38;
	v54 =	vld.idx.msk [tilespmem:v51+s15+$0x0], $0xffff;
	v10 =	vsub.f32 $1.500000000e+00, v7;
	v7 =	vand.u32 $0x7FFFFF, v55  }
.Ltmp0:
0x26e: {  	v42 =	vld.idx.msk [tilespmem:v23+s16+$0x0], $0xffff;
	v9 =	vsub.f32 $1.500000000e+00, v9;
	v1 =	vmul.f32 v17, v1;
	v7 =	vor.u32 $0x3F800000, v7;
	(pc) =	sbr.rel @p0 .LBB2_2-.Ltmp0, $4  }
0x26f: {  	v3 =	vmul.f32 v38, v3;
	v47 =	vld.idx.msk [tilespmem:v51+s17+$0x0], $0xffff;
	v10 =	vmul.f32 v11, v10;
	v14 =	vadd.f32 $1.000000000e+00, v7  }
0x270: {  	v48 =	vld.idx.msk [tilespmem:v51+s16+$0x0], $0xffff;
	v11 =	vmul.f32 v4, v5;
	v9 =	vmul.f32 v13, v9;
	v1 =	vsub.f32 $1.500000000e+00, v1  }
0x271: {  	v3 =	vadd.f32 $2.000000000e+00, v3;
	v43 =	vld.idx.msk [tilespmem:v56+s16+$0x0], $0xffff;
	v13 =	vmul.f32 v10, v15;
	(erf) = vrcp.f32 v14  }
0x272: {  	s24 =	sadd.s32 $0x1, s24;
	v50 =	vld.idx.msk [tilespmem:v23+s17+$0x0], $0xffff;
	v5 =	vadd.f32 $2.000000000e+00, v12;
	v12 =	vmul.f32 v9, v8;
	v8 =	vmul.f32 v17, v1  }
0x273: {  	_ = 	snop  }
0x274: {  	v1 =	vmul.f32 v13, v10;
	v4 =	vmul.f32 v8, v6  }
0x275: {  	v6 =	vmul.f32 v12, v9  }
0x276: {  	v1 =	vsub.f32 $1.500000000e+00, v1;
	v4 =	vmul.f32 v4, v8  }
0x277: {  	v6 =	vsub.f32 $1.500000000e+00, v6  }
0x278: {  	v1 =	vmul.f32 v1, v10;
	v4 =	vsub.f32 $1.500000000e+00, v4  }
0x279: {  	v6 =	vmul.f32 v6, v9  }
0x27a: {  	v1 =	vmul.f32 v1, v2;
	v2 =	vmul.f32 v4, v8  }
0x27b: {  	v4 =	vmul.f32 v6, v57  }
0x27c: {  	v1 =	vadd.f32 $-1.000000000e+00, v1;
	v2 =	vmul.f32 v2, v58  }
0x27d: {  	v4 =	vadd.f32 $-1.000000000e+00, v4  }
0x27e: {  	v1 =	vmul.f32 v1, v53;
	v2 =	vadd.f32 $-1.000000000e+00, v2  }
0x27f: {  	v4 =	vmul.f32 v4, v52  }
0x280: {  	v1 =	vmax.f32 v1, $-8.800000000e+01;
	v2 =	vmul.f32 v2, v54  }
0x281: {  	v1 =	vmul.f32 $1.442695020e+00, v1;
	v4 =	vmax.f32 v4, $-8.800000000e+01  }
0x282: {  	v4 =	vmul.f32 $1.442695020e+00, v4;
	v2 =	vmax.f32 v2, $-8.800000000e+01  }
0x283: {  	(erf) = vpow2.f32 v1;
	v2 =	vmul.f32 $1.442695020e+00, v2  }
0x284: {  	(erf) = vpow2.f32 v4  }
0x285: {  	(erf) = vpow2.f32 v2;
	_ =	sdelay $0x5  }
0x286: {  	v1 =	vpop (erf)  }
0x287: {  	v2 =	vpop (erf)  }
0x288: {  	v4 =	vpop (erf);
	v2 =	vmul.f32 v2, v42  }
0x289: {  	v4 =	vmul.f32 v4, v43;
	v6 =	vpop (erf)  }
0x28a: {  	v2 =	vadd.f32 v2, v50;
	v6 =	vmul.f32 v6, v48  }
0x28b: {  	v7 =	vadd.f32 $-1.000000000e+00, v7;
	v4 =	vadd.f32 v4, v44  }
0x28c: {  	v39 =	vand.u32 $0x7FFFFF, v2;
	v6 =	vadd.f32 v6, v47  }
0x28d: {  	v1 =	vmul.f32 v1, v7;
	v7 =	vand.u32 $0x7FFFFF, v4;
	v8 =	vor.u32 $0x3F800000, v39  }
0x28e: {  	v7 =	vor.u32 $0x3F800000, v7;
	v41 =	vadd.f32 $1.000000000e+00, v8;
	v40 =	vand.u32 $0x7FFFFF, v6  }
0x28f: {  	v43 =	vadd.f32 $1.000000000e+00, v7;
	v9 =	vor.u32 $0x3F800000, v40  }
0x290: {  	(erf) = vrcp.f32 v41;
	v14 =	vadd.f32 $1.000000000e+00, v9  }
0x291: {  	v42 =	vmul.f32 v1, v1;
	(erf) = vrcp.f32 v43  }
0x292: {  	(erf) = vrcp.f32 v14  }
0x293: {  	v44 =	vmul.f32 $2.222222240e-01, v42;
	_ =	sdelay $0x1  }
0x294: {  	v10 =	vadd.f32 $2.857142980e-01, v44  }
0x295: {  	v11 =	vadd.f32 $2.000000000e+00, v11;
	v0 =	vcvt.s32.f32 v0;
	v3 =	vmul.f32 v3, v46  }
0x296: {  	v15 =	vshra.s32 v55, $0x17;
	v5 =	vmul.f32 v5, v45;
	v10 =	vmul.f32 v10, v42  }
0x297: {  	v15 =	vadd.s32 $0xFFFFFF81, v15;
	v11 =	vmul.f32 v11, v49;
	v8 =	vadd.f32 $-1.000000000e+00, v8  }
0x298: {  	v15 =	vcvt.s32.f32 v15;
	v7 =	vadd.f32 $-1.000000000e+00, v7;
	v10 =	vadd.f32 $4.000000060e-01, v10;
	v47 =	vpop (erf)  }
0x299: {  	v22 =	vld [tilespmem:$0x1FE80];
	v0 =	vmul.f32 $6.931471820e-01, v0;
	v9 =	vadd.f32 $-1.000000000e+00, v9;
	v8 =	vmul.f32 v47, v8;
	v48 =	vpop (erf)  }
0x29a: {  	v10 =	vmul.f32 v10, v42;
	v7 =	vmul.f32 v48, v7;
	v14 =	vpop (erf)  }
0x29b: {  	v49 =	vmul.f32 v8, v8;
	v9 =	vmul.f32 v14, v9  }
0x29c: {  	v15 =	vmul.f32 $6.931471820e-01, v15;
	v52 =	vmul.f32 v7, v7  }
0x29d: {  	v10 =	vadd.f32 $6.666666860e-01, v10;
	v16 =	vmul.f32 $2.222222240e-01, v49;
	v17 =	vmul.f32 v9, v9  }
0x29e: {  	v18 =	vadd.s32 v22, v56;
	v55 =	vadd.s32 v22, v37;
	v19 =	vmul.f32 $2.222222240e-01, v52  }
0x29f: {  	v10 =	vmul.f32 v10, v42;
	v16 =	vadd.f32 $2.857142980e-01, v16;
	v20 =	vmul.f32 $2.222222240e-01, v17  }
0x2a0: {  	v56 =	vmul.f32 $6.931471820e-01, v31;
	v57 =	vmul.f32 $6.931471820e-01, v59;
	v19 =	vadd.f32 $2.857142980e-01, v19  }
0x2a1: {  	v10 =	vadd.f32 $2.000000000e+00, v10;
	v53 =	vmul.f32 v16, v49;
	v54 =	vadd.f32 $2.857142980e-01, v20  }
0x2a2: {  	v5 =	vadd.f32 v5, v56;
	v6 =	vshra.s32 v6, $0x17;
	v19 =	vmul.f32 v19, v52  }
0x2a3: {  	v1 =	vmul.f32 v10, v1;
	v10 =	vadd.f32 $4.000000060e-01, v53;
	v16 =	vmul.f32 v54, v17  }
0x2a4: {  	v3 =	vadd.f32 v3, v57;
	v6 =	vadd.s32 $0xFFFFFF81, v6;
	v19 =	vadd.f32 $4.000000060e-01, v19  }
0x2a5: {  	[tilespmem:v36+s19+$0x0] =	vst.idx.add.f32.msk $0xffff, v5;
	v1 =	vadd.f32 v1, v15;
	v10 =	vmul.f32 v10, v49;
	v16 =	vadd.f32 $4.000000060e-01, v16  }
0x2a6: {  	[tilespmem:v29+s19+$0x0] =	vst.idx.add.f32.msk $0xffff, v3;
	v6 =	vcvt.s32.f32 v6;
	v58 =	vmul.f32 v19, v52  }
0x2a7: {  	v0 =	vadd.f32 v11, v0;
	[tilespmem:v55+s19+$0x0] =	vst.idx.add.f32.msk $0xffff, v1;
	v10 =	vadd.f32 $6.666666860e-01, v10;
	v16 =	vmul.f32 v16, v17  }
0x2a8: {  	v2 =	vshra.s32 v2, $0x17;
	v3 =	vmul.f32 $6.931471820e-01, v6;
	v6 =	vld [tilespmem:$0x1FE70];
	v15 =	vadd.f32 $6.666666860e-01, v58  }
0x2a9: {  	v4 =	vshra.s32 v4, $0x17;
	v10 =	vmul.f32 v10, v49;
	v16 =	vadd.f32 $6.666666860e-01, v16  }
0x2aa: {  	v2 =	vadd.s32 $0xFFFFFF81, v2;
	v4 =	vadd.s32 $0xFFFFFF81, v4;
	v12 =	vmul.f32 v15, v52  }
0x2ab: {  	v2 =	vcvt.s32.f32 v2;
	v10 =	vadd.f32 $2.000000000e+00, v10;
	v59 =	vmul.f32 v16, v17  }
0x2ac: {  	v50 =	vadd.s32 v22, v23;
	v4 =	vcvt.s32.f32 v4;
	v12 =	vadd.f32 $2.000000000e+00, v12  }
0x2ad: {  	v2 =	vmul.f32 $6.931471820e-01, v2;
	v8 =	vmul.f32 v10, v8;
	v1 =	vadd.f32 $2.000000000e+00, v59  }
0x2ae: {  	v21 =	vadd.s32 v22, v51;
	v4 =	vmul.f32 $6.931471820e-01, v4;
	v5 =	vmul.f32 v12, v7  }
0x2af: {  	v2 =	vadd.f32 v8, v2;
	v1 =	vmul.f32 v1, v9  }
0x2b0: {  	[tilespmem:v6+s19+$0x0] =	vst.idx.add.f32.msk $0xffff, v0;
	v0 =	vadd.f32 v5, v4  }
0x2b1: {  	[tilespmem:v50+s19+$0x0] =	vst.idx.add.f32.msk $0xffff, v2;
	v1 =	vadd.f32 v1, v3  }
0x2b2: {  	[tilespmem:v18+s19+$0x0] =	vst.idx.add.f32.msk $0xffff, v0  }
0x2b3: {  	[tilespmem:v21+s19+$0x0] =	vst.idx.add.f32.msk $0xffff, v1  }
0x2b4: {  	v0 =	vld [tilespmem:$0x2450]  }
0x2b5: {  	v1 =	vld [tilespmem:$0x2550];
	_ =	sdelay $0x1  }
0x2b6: {  	v2 =	vld [tilespmem:$0x2460];
	_ =	sdelay $0x1  }
0x2b7: {  	v3 =	vld [tilespmem:$0x2560]  }
0x2b8: {  	v0 =	vadd.f32 v1, v0  }
0x2b9: {  	v1 =	vld [tilespmem:$0x2470]  }
0x2ba: {  	v0 =	vadd.f32 v2, v0  }
0x2bb: {  	v2 =	vld [tilespmem:$0x2570]  }
0x2bc: {  	v0 =	vadd.f32 v3, v0  }
0x2bd: {  	v3 =	vld [tilespmem:$0x2480]  }
0x2be: {  	v0 =	vadd.f32 v1, v0  }
0x2bf: {  	v1 =	vld [tilespmem:$0x2580]  }
0x2c0: {  	v0 =	vadd.f32 v2, v0  }
0x2c1: {  	v2 =	vld [tilespmem:$0x2490]  }
0x2c2: {  	v0 =	vadd.f32 v3, v0  }
0x2c3: {  	v3 =	vld [tilespmem:$0x2590]  }
0x2c4: {  	v0 =	vadd.f32 v1, v0  }
0x2c5: {  	v1 =	vld [tilespmem:$0x24A0]  }
0x2c6: {  	v0 =	vadd.f32 v2, v0  }
0x2c7: {  	v2 =	vld [tilespmem:$0x25A0]  }
0x2c8: {  	v0 =	vadd.f32 v3, v0  }
0x2c9: {  	v3 =	vld [tilespmem:$0x24B0]  }
0x2ca: {  	v0 =	vadd.f32 v1, v0  }
0x2cb: {  	v1 =	vld [tilespmem:$0x25B0]  }
0x2cc: {  	v0 =	vadd.f32 v2, v0  }
0x2cd: {  	v2 =	vld [tilespmem:$0x24C0]  }
0x2ce: {  	v0 =	vadd.f32 v3, v0  }
0x2cf: {  	v3 =	vld [tilespmem:$0x25C0]  }
0x2d0: {  	v0 =	vadd.f32 v1, v0  }
0x2d1: {  	v1 =	vld [tilespmem:$0x24D0]  }
0x2d2: {  	v0 =	vadd.f32 v2, v0  }
0x2d3: {  	v2 =	vld [tilespmem:$0x25D0]  }
0x2d4: {  	v0 =	vadd.f32 v3, v0  }
0x2d5: {  	v3 =	vld [tilespmem:$0x24E0]  }
0x2d6: {  	v0 =	vadd.f32 v1, v0  }
0x2d7: {  	v1 =	vld [tilespmem:$0x25E0]  }
0x2d8: {  	v0 =	vadd.f32 v2, v0  }
0x2d9: {  	v2 =	vld [tilespmem:$0x24F0]  }
0x2da: {  	v0 =	vadd.f32 v3, v0  }
0x2db: {  	v3 =	vld [tilespmem:$0x25F0]  }
0x2dc: {  	v0 =	vadd.f32 v1, v0  }
0x2dd: {  	v1 =	vld [tilespmem:$0x2500]  }
0x2de: {  	v0 =	vadd.f32 v2, v0  }
0x2df: {  	v2 =	vld [tilespmem:$0x2600]  }
0x2e0: {  	v0 =	vadd.f32 v3, v0  }
0x2e1: {  	v3 =	vld [tilespmem:$0x2510]  }
0x2e2: {  	v0 =	vadd.f32 v1, v0  }
0x2e3: {  	v1 =	vld [tilespmem:$0x2610]  }
0x2e4: {  	v0 =	vadd.f32 v2, v0  }
0x2e5: {  	v2 =	vld [tilespmem:$0x2520]  }
0x2e6: {  	v0 =	vadd.f32 v3, v0  }
0x2e7: {  	v3 =	vld [tilespmem:$0x2620]  }
0x2e8: {  	v0 =	vadd.f32 v1, v0  }
0x2e9: {  	v1 =	vld [tilespmem:$0x2530]  }
0x2ea: {  	v0 =	vadd.f32 v2, v0  }
0x2eb: {  	v2 =	vld [tilespmem:$0x2630]  }
0x2ec: {  	v0 =	vadd.f32 v3, v0  }
0x2ed: {  	v3 =	vld [tilespmem:$0x2540]  }
0x2ee: {  	v0 =	vadd.f32 v1, v0  }
0x2ef: {  	v1 =	vld [tilespmem:$0x2640]  }
0x2f0: {  	v0 =	vadd.f32 v2, v0;
	_ =	sdelay $0x1  }
0x2f1: {  	v0 =	vadd.f32 v3, v0;
	_ =	sdelay $0x1  }
0x2f2: {  	v0 =	vadd.f32 v1, v0;
	_ =	sdelay $0x1  }
0x2f3: {  	[tilespmem:$0x2650] =	vst v0  }
0x2f4: {  	[hbm4b:s8+s3] =	stream.linear.scatter [tilespmem:s20], [sflag:$0x1], $0x10, $0x38;
	[tilespmem:$0x2660] =	vst v63  }
0x2f5: {  	_ =	swait.ge [sflag:s10], $0x10  }
0x2f6: {  	v47 =	vld [tilespmem:$0x1FFF0]  }
0x2f7: {  	v57 =	vld [tilespmem:$0x1FFC0]  }
0x2f8: {  	v38 =	vld [tilespmem:$0x1FEC0]  }
0x2f9: {  	v39 =	vld [tilespmem:$0x1FED0]  }
0x2fa: {  	v44 =	vld [tilespmem:$0x1FF30]  }
0x2fb: {  	v1 =	vld [tilespmem:$0x1FFA0]  }
0x2fc: {  	v3 =	vld [tilespmem:$0x1FF90]  }
0x2fd: {  	v2 =	vld [tilespmem:$0x1FFB0]  }
0x2fe: {  	v40 =	vld [tilespmem:$0x1FEF0]  }
0x2ff: {  	v42 =	vld [tilespmem:$0x1FF10]  }
0x300: {  	v46 =	vld [tilespmem:$0x1FF60]  }
0x301: {  	v53 =	vld [tilespmem:$0x1FFD0]  }
0x302: {  	v51 =	vld [tilespmem:$0x1FFE0]  }
0x303: {  	s21 =	sadd.s32 $0x1, s21;
	v41 =	vld [tilespmem:$0x1FEE0]  }
0x304: {  	p0 =	sne.s32 s21, s9;
	v4 =	vld [tilespmem:$0x1FF00]  }
.Ltmp1:
0x305: {  	v43 =	vld [tilespmem:$0x1FF20];
	(pc) =	sbr.rel @p0 .LBB2_1-.Ltmp1, $4  }
0x306: {  	v45 =	vld [tilespmem:$0x1FF40]  }
0x307: {  	v59 =	vld [tilespmem:$0x1FF50]  }
0x308: {  	[sflag:s10] =	ssyncset.done $0x0;
	v49 =	vld [tilespmem:$0x1FF70]  }
0x309: {  	v58 =	vld [tilespmem:$0x1FF80];
	[sflag:s10] =	ssyncadd.s32 $0xFFFFFFF0  }
0x30a: {  	_ =	sfence.sel $0x180000  }
0x30b: {  	[bflag:$0x0] =	sbarrier.arrive $0xFFFF  }
0x30c: {  	_ =	strace $0x90000047  }
0x30d: {  	[bflag:$0x2] =	sbarrier.arrive $0xFFFF  }
0x30e: {  	p0 =	sne.s32 s4, $0x0;
	s0 =	rddreg [dreg:$0x4]  }
0x30f: {  	s0 =	sadd.s32 @!p0 $0x100000, s0  }
0x310: {  	[sflag:s0] =	ssyncadd.tile.s32 @!p0 $0x1;
	_ =	shalt  }
.Lfunc_end2:
_tile_overlayer_lowered:
.L_overlay_start_2:
0x311: {  	(tag) =	ssettag $0x2  }
0x312: {  	s0 =	rddreg [dreg:$0x0];
	s2 =	stileid.u32  }
0x313: {  	s1 =	rddreg [dreg:$0x1];
	p0 =	sne.s32 s2, $0x0  }
0x314: {  	s3 =	rddreg [dreg:$0x2];
	[bflag:$0x3] =	sbarrier.arrive $0xFFFF;
	s2 =	simm.s32 @!p0 $0x1C01  }
0x315: {  	[timem:s3], [sflag:s2] =	dma.local @!p0 [hbm:s0], s1  }
0x316: {  	s0 =	simm.s32 @!p0 $0x1  }
0x317: {  	_ =	swait.ge @!p0 [sflag:s0], s1  }
0x318: {  	s1 =	ssub.s32 @!p0 $0x0, s1;
	[sflag:s0] =	ssyncset.done @!p0 $0x0  }
0x319: {  	[sflag:s0] =	ssyncadd.s32 @!p0 s1  }
0x31a: {  	[bflag:$0x3] =	sbarrier.arrive $0xFFFF  }
0x31b: {  	_ =	shalt  }

</sc_bundles>
